<compile_context>
chip_gen: v7x
topology: tpu7x:2x2x1
jax: 0.10.2.dev20260603
libtpu: 0.0.44.dev20260713+nightly
codegen_flags: <defaults>
</compile_context>

<pallas_src>
import functools

import jax
import jax.numpy as jnp
from jax import lax
from jax.experimental import pallas as pl
from jax.experimental.pallas import tpu as pltpu
from jax.experimental.pallas import tpu_sc as plsc

V = 1000
N = 51200
NH = N // 2
VA = 896
NC, NS, L = 2, 16, 16
NW = NC * NS
RPT = NH // NW
G = 40
NCHUNK = RPT // G
GT = 1280
NBH = NH // GT
TW = V - VA
TSTART = VA


def _logz_body(tab_ref, out_ref):
    x = tab_ref[:]
    m = jnp.max(x, axis=1, keepdims=True)
    s = jnp.sum(jnp.exp(x - m), axis=1, keepdims=True)
    out_ref[:] = m + jnp.log(s)


def _tc_logz(table):
    return pl.pallas_call(
        _logz_body,
        out_shape=jax.ShapeDtypeStruct((V, 1), jnp.float32),
    )(table)


def _sc_gather(table_a, table_flat, idx_h, tgt_h, logz):
    mesh = plsc.VectorSubcoreMesh(core_axis_name="c", subcore_axis_name="s")

    @functools.partial(
        pl.kernel,
        out_type=(
            jax.ShapeDtypeStruct((NH, VA), jnp.float32),
            jax.ShapeDtypeStruct((NW, L), jnp.float32),
        ),
        mesh=mesh,
        scratch_types=[
            pltpu.VMEM((RPT,), jnp.int32),
            pltpu.VMEM((RPT,), jnp.int32),
            pltpu.VMEM((RPT,), jnp.int32),
            pltpu.VMEM((RPT,), jnp.float32),
            pltpu.VMEM((RPT,), jnp.float32),
            pltpu.VMEM((G, VA), jnp.float32),
            pltpu.VMEM((G, VA), jnp.float32),
            pltpu.VMEM((L,), jnp.float32),
            pltpu.SemaphoreType.DMA,
            pltpu.SemaphoreType.DMA,
            pltpu.SemaphoreType.DMA,
            pltpu.SemaphoreType.DMA,
            pltpu.SemaphoreType.DMA,
        ],
    )
    def k(taba_hbm, tabflat_hbm, idx_hbm, tgt_hbm, logz_hbm, out_hbm,
          part_hbm, idx_v, tgt_v, fidx_v, picked_v, lzp_v, rows0_v, rows1_v,
          acc_v, psem, sin0, sin1, sout0, sout1):
        wid = lax.axis_index("s") * NC + lax.axis_index("c")
        base = pl.multiple_of(wid * RPT, RPT)
        rows = (rows0_v, rows1_v)
        sin = (sin0, sin1)
        sout = (sout0, sout1)
        pltpu.sync_copy(idx_hbm.at[pl.ds(base, RPT)], idx_v)
        pltpu.sync_copy(tgt_hbm.at[pl.ds(base, RPT)], tgt_v)

        def start_in(g, b):
            off = pl.multiple_of(g * G, G)
            pltpu.async_copy(taba_hbm.at[idx_v.at[pl.ds(off, G)]],
                             rows[b], sin[b])

        def wait_in(b):
            pltpu.make_async_copy(taba_hbm.at[idx_v.at[pl.ds(0, G)]],
                                  rows[b], sin[b]).wait()

        def start_out(g, b):
            off = pl.multiple_of(g * G, G)
            pltpu.async_copy(rows[b],
                             out_hbm.at[pl.ds(base + off, G), pl.ds(0, VA)],
                             sout[b])

        def wait_out(b):
            pltpu.make_async_copy(rows[b],
                                  out_hbm.at[pl.ds(base, G), pl.ds(0, VA)],
                                  sout[b]).wait()

        start_in(0, 0)
        start_in(1, 1)

        def mkflat(j, _):
            o = pl.multiple_of(j * L, L)
            fidx_v[pl.ds(o, L)] = idx_v[pl.ds(o, L)] * V + tgt_v[pl.ds(o, L)]
            return 0
        lax.fori_loop(0, RPT // L, mkflat, 0)

        pltpu.async_copy(tabflat_hbm.at[fidx_v], picked_v, psem)
        pltpu.async_copy(logz_hbm.at[idx_v], lzp_v, psem)
        pltpu.make_async_copy(tabflat_hbm.at[fidx_v], picked_v, psem).wait()
        pltpu.make_async_copy(logz_hbm.at[idx_v], lzp_v, psem).wait()

        def accum(j, acc):
            o = pl.multiple_of(j * L, L)
            return acc + (lzp_v[pl.ds(o, L)] - picked_v[pl.ds(o, L)])
        acc = lax.fori_loop(0, RPT // L, accum, jnp.zeros((L,), jnp.float32))
        acc_v[...] = acc
        pltpu.sync_copy(acc_v, part_hbm.at[wid])

        def step(i, _):
            t = i * 2
            for b in range(2):
                g = t + b
                wait_in(b)
                start_out(g, b)

            @pl.when(t + 2 < NCHUNK)
            def _():
                wait_out(0)
                start_in(t + 2, 0)

            @pl.when(t + 3 < NCHUNK)
            def _():
                wait_out(1)
                start_in(t + 3, 1)
            return 0
        lax.fori_loop(0, NCHUNK // 2, step, 0)
        wait_out(0)
        wait_out(1)

    return k(table_a, table_flat, idx_h, tgt_h, logz)


def _oh_tail(idx_ref, tailT_ref):
    ids = idx_ref[0, 0, :]
    ohT = (lax.broadcasted_iota(jnp.int32, (V, GT), 0)
           == ids[None, :]).astype(jnp.float32)
    return jnp.dot(tailT_ref[...], ohT, preferred_element_type=jnp.float32)


def _relayout_a_body(idx_ref, tailT_ref, sc_ref, out_ref):
    out_ref[0:VA, :] = jnp.transpose(sc_ref[...])
    out_ref[VA:V, :] = _oh_tail(idx_ref, tailT_ref)


def _relayout_b_body(idx_ref, tailT_ref, pa_ref, pb_ref, sc_ref, alias_ref,
                     out_ref, loss_ref):
    del alias_ref
    out_ref[0:VA, :] = jnp.transpose(sc_ref[...])
    out_ref[VA:V, :] = _oh_tail(idx_ref, tailT_ref)

    @pl.when(pl.program_id(0) == 0)
    def _():
        loss_ref[0, 0] = (jnp.sum(pa_ref[...]) + jnp.sum(pb_ref[...])) \
            * (1.0 / N)


def _tc_relayout_a(idx3, tailT, sc_a):
    return pl.pallas_call(
        _relayout_a_body,
        grid=(NBH,),
        in_specs=[
            pl.BlockSpec((1, 1, GT), lambda i: (i, 0, 0)),
            pl.BlockSpec((TW, V), lambda i: (0, 0)),
            pl.BlockSpec((GT, VA), lambda i: (i, 0)),
        ],
        out_specs=pl.BlockSpec((V, GT), lambda i: (0, i)),
        out_shape=jax.ShapeDtypeStruct((V, N), jnp.float32),
    )(idx3, tailT, sc_a)


def _tc_relayout_b(idx3, tailT, pa, pb, sc_b, outT):
    return pl.pallas_call(
        _relayout_b_body,
        grid=(NBH,),
        in_specs=[
            pl.BlockSpec((1, 1, GT), lambda i: (i, 0, 0)),
            pl.BlockSpec((TW, V), lambda i: (0, 0)),
            pl.BlockSpec((NW, L), lambda i: (0, 0)),
            pl.BlockSpec((NW, L), lambda i: (0, 0)),
            pl.BlockSpec((GT, VA), lambda i: (i, 0)),
            pl.BlockSpec(memory_space=pl.ANY),
        ],
        out_specs=[
            pl.BlockSpec((V, GT), lambda i: (0, i + NBH)),
            pl.BlockSpec((1, 1), lambda i: (0, 0),
                         memory_space=pltpu.SMEM),
        ],
        out_shape=[
            jax.ShapeDtypeStruct((V, N), jnp.float32),
            jax.ShapeDtypeStruct((1, 1), jnp.float32),
        ],
        input_output_aliases={5: 0},
    )(idx3, tailT, pa, pb, sc_b, outT)


def kernel(idx, target, table):
    idx_flat = idx.reshape(N)
    tgt_flat = target.reshape(N)
    logz = _tc_logz(table).reshape(V)
    table_a = table[:, :VA]
    table_flat = table.reshape(V * V)
    tailT = table[:, TSTART:].T
    idx_a, idx_b = idx_flat[:NH], idx_flat[NH:]
    tgt_a, tgt_b = tgt_flat[:NH], tgt_flat[NH:]
    sc_a, pa = _sc_gather(table_a, table_flat, idx_a, tgt_a, logz)
    sc_b, pb = _sc_gather(table_a, table_flat, idx_b, tgt_b, logz)
    outT_a = _tc_relayout_a(idx_a.reshape(NBH, 1, GT), tailT, sc_a)
    outT, loss = _tc_relayout_b(idx_b.reshape(NBH, 1, GT), tailT, pa, pb,
                                sc_b, outT_a)
    return (jnp.transpose(outT), loss[0, 0])

# --- scband reference (transcript-rebuilt; emitter-appended) ---
"""Pipeline reference for scband-bigram-lanuage-model-88605175316676 (READ-ONLY COPY).

The authoritative reference and input builder live on the scoring server;
editing this copy changes nothing except your own understanding.
"""

import jax, jax.numpy as jnp
import numpy as np

VOCAB = 1000
B = 1024
T = 50


def setup_inputs(seed: int = 0) -> dict:
    key = jax.random.key(seed)
    k1, k2, k3 = jax.random.split(key, 3)
    idx = jax.random.randint(k1, (B, T), 0, VOCAB)
    target = jax.random.randint(k2, (B, T), 0, VOCAB)
    # learned parameter: nn.Embedding(vocab_size, vocab_size) weight
    table = jax.random.normal(k3, (VOCAB, VOCAB), dtype=jnp.float32)
    return {"idx": idx, "target": target, "table": table}


def reference(idx, target, table):
    # logits = self.token_embedding_table(idx)  -> gather rows
    logits = jnp.take(table, idx, axis=0)  # [B, T, C]
    Bb, Tt, C = logits.shape
    logits2 = logits.reshape(Bb * Tt, C)
    tgt = target.reshape(Bb * Tt)
    # F.cross_entropy(logits2, tgt) with mean reduction
    logz = jax.nn.logsumexp(logits2, axis=-1)
    ll = jnp.take_along_axis(logits2, tgt[:, None], axis=1)[:, 0]
    loss = jnp.mean(logz - ll)
    return (logits2, loss)

if __name__ == "__main__":
    import jax
    _d = setup_inputs()
    print(jax.jit(kernel)(*tuple(_d.values())))

</pallas_src>

<mosaic_0001>
#map = affine_map<(d0, d1) -> (0, 0)>
#map1 = affine_map<(d0, d1) -> (0)>
module attributes {stable_mosaic.version = 14 : i64} {
  func.func @k(%arg0: i32, %arg1: i32, %arg2: memref<1000x896xf32, #tpu.memory_space<hbm>>, %arg3: memref<1000000xf32, #tpu.memory_space<hbm>>, %arg4: memref<25600xi32, #tpu.memory_space<hbm>>, %arg5: memref<25600xi32, #tpu.memory_space<hbm>>, %arg6: memref<1000xf32, #tpu.memory_space<hbm>>, %arg7: memref<25600x896xf32, #tpu.memory_space<hbm>>, %arg8: memref<32x16xf32, #tpu.memory_space<hbm>>, %arg9: memref<800xi32, #tpu.memory_space<vmem>>, %arg10: memref<800xi32, #tpu.memory_space<vmem>>, %arg11: memref<800xi32, #tpu.memory_space<vmem>>, %arg12: memref<800xf32, #tpu.memory_space<vmem>>, %arg13: memref<800xf32, #tpu.memory_space<vmem>>, %arg14: memref<40x896xf32, #tpu.memory_space<vmem>>, %arg15: memref<40x896xf32, #tpu.memory_space<vmem>>, %arg16: memref<16xf32, #tpu.memory_space<vmem>>, %arg17: memref<!tpu.dma_semaphore, #tpu.memory_space<semaphore_mem>>, %arg18: memref<!tpu.dma_semaphore, #tpu.memory_space<semaphore_mem>>, %arg19: memref<!tpu.dma_semaphore, #tpu.memory_space<semaphore_mem>>, %arg20: memref<!tpu.dma_semaphore, #tpu.memory_space<semaphore_mem>>, %arg21: memref<!tpu.dma_semaphore, #tpu.memory_space<semaphore_mem>>) attributes {dimension_semantics = [#tpu.dimension_semantics<core_parallel>, #tpu.dimension_semantics<subcore_parallel>], iteration_bounds = array<i64: 2, 16>, scalar_prefetch = 0 : i64, scratch_operands = 13 : i64, tpu.core_type = #tpu.core_type<sc_vector_subcore>, window_params = [{transform_indices = #map}, {transform_indices = #map1}, {transform_indices = #map1}, {transform_indices = #map1}, {transform_indices = #map1}, {transform_indices = #map}, {transform_indices = #map}]} {
    %mul3A = arith.constant 2 : i32
    %mul3A_0 = arith.muli %arg1, %mul3A : i32
    %add3A = arith.addi %mul3A_0, %arg0 : i32
    %mul3A_1 = arith.constant 800 : i32
    %mul3A_2 = arith.muli %add3A, %mul3A_1 : i32
    %multiple_of3A = tpu.assume_multiple %mul3A_2, 800 : i32
    "tpu.region"() ({
      %run_scoped3A = tpu.sem_alloc : memref<!tpu.dma_semaphore, #tpu.memory_space<semaphore_mem>>
      %dma_start3A_52 = tpu.memref_slice %arg4[%multiple_of3A] : memref<25600xi32, #tpu.memory_space<hbm>> -> memref<800xi32, #tpu.memory_space<hbm>>
      %dma_start3A_53 = tpu.memref_slice %arg4[%multiple_of3A] : memref<25600xi32, #tpu.memory_space<hbm>> -> memref<800xi32, #tpu.memory_space<hbm>>
      tpu.enqueue_dma source(%dma_start3A_53 : memref<800xi32, #tpu.memory_space<hbm>>) target(%arg9 : memref<800xi32, #tpu.memory_space<vmem>>) target_semaphore(%run_scoped3A : memref<!tpu.dma_semaphore, #tpu.memory_space<semaphore_mem>>)
      %dma_wait3A_54 = tpu.memref_slice %arg4[%multiple_of3A] : memref<25600xi32, #tpu.memory_space<hbm>> -> memref<800xi32, #tpu.memory_space<hbm>>
      %dma_wait3A_55 = tpu.memref_slice %arg4[%multiple_of3A] : memref<25600xi32, #tpu.memory_space<hbm>> -> memref<800xi32, #tpu.memory_space<hbm>>
      tpu.wait_dma2 semaphore(%run_scoped3A : memref<!tpu.dma_semaphore, #tpu.memory_space<semaphore_mem>>) src(%dma_wait3A_55 : memref<800xi32, #tpu.memory_space<hbm>>) dst(%arg9 : memref<800xi32, #tpu.memory_space<vmem>>)
      tpu.yield
    }) : () -> ()
    "tpu.region"() ({
      %run_scoped3A = tpu.sem_alloc : memref<!tpu.dma_semaphore, #tpu.memory_space<semaphore_mem>>
      %dma_start3A_52 = tpu.memref_slice %arg5[%multiple_of3A] : memref<25600xi32, #tpu.memory_space<hbm>> -> memref<800xi32, #tpu.memory_space<hbm>>
      %dma_start3A_53 = tpu.memref_slice %arg5[%multiple_of3A] : memref<25600xi32, #tpu.memory_space<hbm>> -> memref<800xi32, #tpu.memory_space<hbm>>
      tpu.enqueue_dma source(%dma_start3A_53 : memref<800xi32, #tpu.memory_space<hbm>>) target(%arg10 : memref<800xi32, #tpu.memory_space<vmem>>) target_semaphore(%run_scoped3A : memref<!tpu.dma_semaphore, #tpu.memory_space<semaphore_mem>>)
      %dma_wait3A_54 = tpu.memref_slice %arg5[%multiple_of3A] : memref<25600xi32, #tpu.memory_space<hbm>> -> memref<800xi32, #tpu.memory_space<hbm>>
      %dma_wait3A_55 = tpu.memref_slice %arg5[%multiple_of3A] : memref<25600xi32, #tpu.memory_space<hbm>> -> memref<800xi32, #tpu.memory_space<hbm>>
      tpu.wait_dma2 semaphore(%run_scoped3A : memref<!tpu.dma_semaphore, #tpu.memory_space<semaphore_mem>>) src(%dma_wait3A_55 : memref<800xi32, #tpu.memory_space<hbm>>) dst(%arg10 : memref<800xi32, #tpu.memory_space<vmem>>)
      tpu.yield
    }) : () -> ()
    %multiple_of3A_3 = arith.constant 0 : i32
    %multiple_of3A_4 = tpu.assume_multiple %multiple_of3A_3, 40 : i32
    %dma_start3A = tpu.memref_slice %arg9[%multiple_of3A_4] : memref<800xi32, #tpu.memory_space<vmem>> -> memref<40xi32, #tpu.memory_space<vmem>>
    %dma_start3A_5 = arith.constant 0 : i32
    %dma_start3A_6 = arith.constant 0 : i32
    %dma_start3A_7 = tpu.memref_slice %arg2[%dma_start3A_5, %dma_start3A_6] : memref<1000x896xf32, #tpu.memory_space<hbm>> -> memref<1000x896xf32, #tpu.memory_space<hbm>>
    tpu.enqueue_indirect_dma source(%dma_start3A_7 : memref<1000x896xf32, #tpu.memory_space<hbm>>) target(%arg14 : memref<40x896xf32, #tpu.memory_space<vmem>>) offsets(%dma_start3A : memref<40xi32, #tpu.memory_space<vmem>>) semaphore(%arg18 : memref<!tpu.dma_semaphore, #tpu.memory_space<semaphore_mem>>)
    %multiple_of3A_8 = arith.constant 40 : i32
    %multiple_of3A_9 = tpu.assume_multiple %multiple_of3A_8, 40 : i32
    %dma_start3A_10 = tpu.memref_slice %arg9[%multiple_of3A_9] : memref<800xi32, #tpu.memory_space<vmem>> -> memref<40xi32, #tpu.memory_space<vmem>>
    %dma_start3A_11 = arith.constant 0 : i32
    %dma_start3A_12 = arith.constant 0 : i32
    %dma_start3A_13 = tpu.memref_slice %arg2[%dma_start3A_11, %dma_start3A_12] : memref<1000x896xf32, #tpu.memory_space<hbm>> -> memref<1000x896xf32, #tpu.memory_space<hbm>>
    tpu.enqueue_indirect_dma source(%dma_start3A_13 : memref<1000x896xf32, #tpu.memory_space<hbm>>) target(%arg15 : memref<40x896xf32, #tpu.memory_space<vmem>>) offsets(%dma_start3A_10 : memref<40xi32, #tpu.memory_space<vmem>>) semaphore(%arg19 : memref<!tpu.dma_semaphore, #tpu.memory_space<semaphore_mem>>)
    %scan3A = arith.constant 0 : i32
    %scan3A_14 = arith.constant 0 : i32
    %scan3A_15 = arith.constant 50 : i32
    %scan3A_16 = arith.addi %scan3A_14, %scan3A_15 : i32
    %scan3A_17 = arith.constant 1 : i32
    %scan3A_18 = scf.for %scan3A_52 = %scan3A_14 to %scan3A_16 step %scan3A_17 iter_args(%scan3A_53 = %scan3A) -> (i32)  : i32 {
      %mul3A_54 = arith.constant 16 : i32
      %mul3A_55 = arith.muli %scan3A_52, %mul3A_54 : i32
      %multiple_of3A_56 = tpu.assume_multiple %mul3A_55, 16 : i32
      %get3A = arith.index_cast %multiple_of3A_56 : i32 to index
      %get3A_57 = tpu.vector_load %arg9[%get3A] {strides = array<i32>} : memref<800xi32, #tpu.memory_space<vmem>>, vector<16xi32>,
      %get3A_58 = vector.shape_cast %get3A_57 : vector<16xi32> to vector<16xi32>
      %mul3A_59 = arith.constant 1000 : i32
      %mul3A_60 = vector.broadcast %mul3A_59 : i32 to vector<16xi32>
      %mul3A_61 = arith.muli %get3A_58, %mul3A_60 : vector<16xi32>
      %get3A_62 = arith.index_cast %multiple_of3A_56 : i32 to index
      %get3A_63 = tpu.vector_load %arg10[%get3A_62] {strides = array<i32>} : memref<800xi32, #tpu.memory_space<vmem>>, vector<16xi32>,
      %get3A_64 = vector.shape_cast %get3A_63 : vector<16xi32> to vector<16xi32>
      %add3A_65 = arith.addi %mul3A_61, %get3A_64 : vector<16xi32>
      %swap3A_66 = arith.index_cast %multiple_of3A_56 : i32 to index
      %swap3A_67 = tpu.vector_load %arg11[%swap3A_66] {strides = array<i32>} : memref<800xi32, #tpu.memory_space<vmem>>, vector<16xi32>,
      %swap3A_68 = vector.shape_cast %swap3A_67 : vector<16xi32> to vector<16xi32>
      %swap3A_69 = vector.shape_cast %add3A_65 : vector<16xi32> to vector<16xi32>
      tpu.vector_store %arg11[%swap3A_66], %swap3A_69 {strides = array<i32>} : memref<800xi32, #tpu.memory_space<vmem>>, vector<16xi32>,
      %scan3A_70 = arith.constant 0 : i32
      scf.yield %scan3A_70 : i32
    }
    %scan3A_19 = arith.constant 50 : i32
    %dma_start3A_20 = arith.constant 0 : i32
    %dma_start3A_21 = tpu.memref_slice %arg3[%dma_start3A_20] : memref<1000000xf32, #tpu.memory_space<hbm>> -> memref<1000000xf32, #tpu.memory_space<hbm>>
    tpu.enqueue_indirect_dma source(%dma_start3A_21 : memref<1000000xf32, #tpu.memory_space<hbm>>) target(%arg12 : memref<800xf32, #tpu.memory_space<vmem>>) offsets(%arg11 : memref<800xi32, #tpu.memory_space<vmem>>) semaphore(%arg17 : memref<!tpu.dma_semaphore, #tpu.memory_space<semaphore_mem>>)
    %dma_start3A_22 = arith.constant 0 : i32
    %dma_start3A_23 = tpu.memref_slice %arg6[%dma_start3A_22] : memref<1000xf32, #tpu.memory_space<hbm>> -> memref<1000xf32, #tpu.memory_space<hbm>>
    tpu.enqueue_indirect_dma source(%dma_start3A_23 : memref<1000xf32, #tpu.memory_space<hbm>>) target(%arg13 : memref<800xf32, #tpu.memory_space<vmem>>) offsets(%arg9 : memref<800xi32, #tpu.memory_space<vmem>>) semaphore(%arg17 : memref<!tpu.dma_semaphore, #tpu.memory_space<semaphore_mem>>)
    %dma_wait3A = arith.constant 0 : i32
    %dma_wait3A_24 = tpu.memref_slice %arg3[%dma_wait3A] : memref<1000000xf32, #tpu.memory_space<hbm>> -> memref<1000000xf32, #tpu.memory_space<hbm>>
    tpu.wait_indirect_dma semaphore(%arg17 : memref<!tpu.dma_semaphore, #tpu.memory_space<semaphore_mem>>) src(%dma_wait3A_24 : memref<1000000xf32, #tpu.memory_space<hbm>>) dst(%arg12 : memref<800xf32, #tpu.memory_space<vmem>>)
    %dma_wait3A_25 = arith.constant 0 : i32
    %dma_wait3A_26 = tpu.memref_slice %arg6[%dma_wait3A_25] : memref<1000xf32, #tpu.memory_space<hbm>> -> memref<1000xf32, #tpu.memory_space<hbm>>
    tpu.wait_indirect_dma semaphore(%arg17 : memref<!tpu.dma_semaphore, #tpu.memory_space<semaphore_mem>>) src(%dma_wait3A_26 : memref<1000xf32, #tpu.memory_space<hbm>>) dst(%arg13 : memref<800xf32, #tpu.memory_space<vmem>>)
    %broadcast_in_dim3A = arith.constant 0.000000e+00 : f32
    %broadcast_in_dim3A_27 = vector.broadcast %broadcast_in_dim3A : f32 to vector<16xf32>
    %scan3A_28 = arith.constant 0 : i32
    %scan3A_29 = arith.constant 50 : i32
    %scan3A_30 = arith.addi %scan3A_28, %scan3A_29 : i32
    %scan3A_31 = arith.constant 1 : i32
    %scan3A_32 = scf.for %scan3A_52 = %scan3A_28 to %scan3A_30 step %scan3A_31 iter_args(%scan3A_53 = %broadcast_in_dim3A_27) -> (vector<16xf32>)  : i32 {
      %mul3A_54 = arith.constant 16 : i32
      %mul3A_55 = arith.muli %scan3A_52, %mul3A_54 : i32
      %multiple_of3A_56 = tpu.assume_multiple %mul3A_55, 16 : i32
      %get3A = arith.index_cast %multiple_of3A_56 : i32 to index
      %get3A_57 = tpu.vector_load %arg13[%get3A] {strides = array<i32>} : memref<800xf32, #tpu.memory_space<vmem>>, vector<16xf32>,
      %get3A_58 = vector.shape_cast %get3A_57 : vector<16xf32> to vector<16xf32>
      %get3A_59 = arith.index_cast %multiple_of3A_56 : i32 to index
      %get3A_60 = tpu.vector_load %arg12[%get3A_59] {strides = array<i32>} : memref<800xf32, #tpu.memory_space<vmem>>, vector<16xf32>,
      %get3A_61 = vector.shape_cast %get3A_60 : vector<16xf32> to vector<16xf32>
      %sub3A = arith.subf %get3A_58, %get3A_61 : vector<16xf32>
      %add3A_62 = arith.addf %scan3A_53, %sub3A : vector<16xf32>
      scf.yield %add3A_62 : vector<16xf32>
    }
    %scan3A_33 = arith.constant 50 : i32
    %swap3A = arith.constant 0 : index
    %swap3A_34 = tpu.vector_load %arg16[%swap3A] {strides = array<i32>} : memref<16xf32, #tpu.memory_space<vmem>>, vector<16xf32>,
    %swap3A_35 = vector.shape_cast %swap3A_34 : vector<16xf32> to vector<16xf32>
    %swap3A_36 = vector.shape_cast %scan3A_32 : vector<16xf32> to vector<16xf32>
    tpu.vector_store %arg16[%swap3A], %swap3A_36 {strides = array<i32>} : memref<16xf32, #tpu.memory_space<vmem>>, vector<16xf32>,
    "tpu.region"() ({
      %run_scoped3A = tpu.sem_alloc : memref<!tpu.dma_semaphore, #tpu.memory_space<semaphore_mem>>
      %dma_start3A_52 = arith.constant 0 : i32
      %dma_start3A_53 = tpu.memref_slice %arg8[%add3A, %dma_start3A_52] : memref<32x16xf32, #tpu.memory_space<hbm>> -> memref<1x16xf32, #tpu.memory_space<hbm>>
      %dma_start3A_54 = tpu.memref_squeeze %dma_start3A_53 : memref<1x16xf32, #tpu.memory_space<hbm>> -> memref<16xf32, #tpu.memory_space<hbm>>
      %dma_start3A_55 = arith.constant 0 : i32
      %dma_start3A_56 = tpu.memref_slice %arg8[%add3A, %dma_start3A_55] : memref<32x16xf32, #tpu.memory_space<hbm>> -> memref<1x16xf32, #tpu.memory_space<hbm>>
      %dma_start3A_57 = tpu.memref_squeeze %dma_start3A_56 : memref<1x16xf32, #tpu.memory_space<hbm>> -> memref<16xf32, #tpu.memory_space<hbm>>
      tpu.enqueue_dma source(%arg16 : memref<16xf32, #tpu.memory_space<vmem>>) target(%dma_start3A_57 : memref<16xf32, #tpu.memory_space<hbm>>) target_semaphore(%run_scoped3A : memref<!tpu.dma_semaphore, #tpu.memory_space<semaphore_mem>>)
      %dma_wait3A_58 = arith.constant 0 : i32
      %dma_wait3A_59 = tpu.memref_slice %arg8[%add3A, %dma_wait3A_58] : memref<32x16xf32, #tpu.memory_space<hbm>> -> memref<1x16xf32, #tpu.memory_space<hbm>>
      %dma_wait3A_60 = tpu.memref_squeeze %dma_wait3A_59 : memref<1x16xf32, #tpu.memory_space<hbm>> -> memref<16xf32, #tpu.memory_space<hbm>>
      %dma_wait3A_61 = arith.constant 0 : i32
      %dma_wait3A_62 = tpu.memref_slice %arg8[%add3A, %dma_wait3A_61] : memref<32x16xf32, #tpu.memory_space<hbm>> -> memref<1x16xf32, #tpu.memory_space<hbm>>
      %dma_wait3A_63 = tpu.memref_squeeze %dma_wait3A_62 : memref<1x16xf32, #tpu.memory_space<hbm>> -> memref<16xf32, #tpu.memory_space<hbm>>
      tpu.wait_dma2 semaphore(%run_scoped3A : memref<!tpu.dma_semaphore, #tpu.memory_space<semaphore_mem>>) src(%arg16 : memref<16xf32, #tpu.memory_space<vmem>>) dst(%dma_wait3A_63 : memref<16xf32, #tpu.memory_space<hbm>>)
      tpu.yield
    }) : () -> ()
    %scan3A_37 = arith.constant 0 : i32
    %scan3A_38 = arith.constant 0 : i32
    %scan3A_39 = arith.constant 10 : i32
    %scan3A_40 = arith.addi %scan3A_38, %scan3A_39 : i32
    %scan3A_41 = arith.constant 1 : i32
    %scan3A_42 = scf.for %scan3A_52 = %scan3A_38 to %scan3A_40 step %scan3A_41 iter_args(%scan3A_53 = %scan3A_37) -> (i32)  : i32 {
      %mul3A_54 = arith.constant 2 : i32
      %mul3A_55 = arith.muli %scan3A_52, %mul3A_54 : i32
      %add3A_56 = arith.constant 0 : i32
      %add3A_57 = arith.addi %mul3A_55, %add3A_56 : i32
      %dma_wait3A_58 = arith.constant 0 : i32
      %dma_wait3A_59 = tpu.memref_slice %arg9[%dma_wait3A_58] : memref<800xi32, #tpu.memory_space<vmem>> -> memref<40xi32, #tpu.memory_space<vmem>>
      %dma_wait3A_60 = arith.constant 0 : i32
      %dma_wait3A_61 = arith.constant 0 : i32
      %dma_wait3A_62 = tpu.memref_slice %arg2[%dma_wait3A_60, %dma_wait3A_61] : memref<1000x896xf32, #tpu.memory_space<hbm>> -> memref<1000x896xf32, #tpu.memory_space<hbm>>
      tpu.wait_indirect_dma semaphore(%arg18 : memref<!tpu.dma_semaphore, #tpu.memory_space<semaphore_mem>>) src(%dma_wait3A_62 : memref<1000x896xf32, #tpu.memory_space<hbm>>) dst(%arg14 : memref<40x896xf32, #tpu.memory_space<vmem>>)
      %mul3A_63 = arith.constant 40 : i32
      %mul3A_64 = arith.muli %add3A_57, %mul3A_63 : i32
      %multiple_of3A_65 = tpu.assume_multiple %mul3A_64, 40 : i32
      %add3A_66 = arith.addi %multiple_of3A, %multiple_of3A_65 : i32
      %dma_start3A_67 = arith.constant 0 : i32
      %dma_start3A_68 = tpu.memref_slice %arg7[%add3A_66, %dma_start3A_67] : memref<25600x896xf32, #tpu.memory_space<hbm>> -> memref<40x896xf32, #tpu.memory_space<hbm>>
      %dma_start3A_69 = arith.constant 0 : i32
      %dma_start3A_70 = tpu.memref_slice %arg7[%add3A_66, %dma_start3A_69] : memref<25600x896xf32, #tpu.memory_space<hbm>> -> memref<40x896xf32, #tpu.memory_space<hbm>>
      tpu.enqueue_dma source(%arg14 : memref<40x896xf32, #tpu.memory_space<vmem>>) target(%dma_start3A_70 : memref<40x896xf32, #tpu.memory_space<hbm>>) target_semaphore(%arg20 : memref<!tpu.dma_semaphore, #tpu.memory_space<semaphore_mem>>)
      %add3A_71 = arith.constant 1 : i32
      %add3A_72 = arith.addi %mul3A_55, %add3A_71 : i32
      %dma_wait3A_73 = arith.constant 0 : i32
      %dma_wait3A_74 = tpu.memref_slice %arg9[%dma_wait3A_73] : memref<800xi32, #tpu.memory_space<vmem>> -> memref<40xi32, #tpu.memory_space<vmem>>
      %dma_wait3A_75 = arith.constant 0 : i32
      %dma_wait3A_76 = arith.constant 0 : i32
      %dma_wait3A_77 = tpu.memref_slice %arg2[%dma_wait3A_75, %dma_wait3A_76] : memref<1000x896xf32, #tpu.memory_space<hbm>> -> memref<1000x896xf32, #tpu.memory_space<hbm>>
      tpu.wait_indirect_dma semaphore(%arg19 : memref<!tpu.dma_semaphore, #tpu.memory_space<semaphore_mem>>) src(%dma_wait3A_77 : memref<1000x896xf32, #tpu.memory_space<hbm>>) dst(%arg15 : memref<40x896xf32, #tpu.memory_space<vmem>>)
      %mul3A_78 = arith.constant 40 : i32
      %mul3A_79 = arith.muli %add3A_72, %mul3A_78 : i32
      %multiple_of3A_80 = tpu.assume_multiple %mul3A_79, 40 : i32
      %add3A_81 = arith.addi %multiple_of3A, %multiple_of3A_80 : i32
      %dma_start3A_82 = arith.constant 0 : i32
      %dma_start3A_83 = tpu.memref_slice %arg7[%add3A_81, %dma_start3A_82] : memref<25600x896xf32, #tpu.memory_space<hbm>> -> memref<40x896xf32, #tpu.memory_space<hbm>>
      %dma_start3A_84 = arith.constant 0 : i32
      %dma_start3A_85 = tpu.memref_slice %arg7[%add3A_81, %dma_start3A_84] : memref<25600x896xf32, #tpu.memory_space<hbm>> -> memref<40x896xf32, #tpu.memory_space<hbm>>
      tpu.enqueue_dma source(%arg15 : memref<40x896xf32, #tpu.memory_space<vmem>>) target(%dma_start3A_85 : memref<40x896xf32, #tpu.memory_space<hbm>>) target_semaphore(%arg21 : memref<!tpu.dma_semaphore, #tpu.memory_space<semaphore_mem>>)
      %add3A_86 = arith.constant 2 : i32
      %add3A_87 = arith.addi %mul3A_55, %add3A_86 : i32
      %lt3A = arith.constant 20 : i32
      %lt3A_88 = arith.cmpi slt, %add3A_87, %lt3A : i32
      %convert_element_type3A = arith.extui %lt3A_88 : i1 to i32
      %cond3A = arith.constant 0 : i32
      %cond3A_89 = arith.cmpi ne, %convert_element_type3A, %cond3A : i32
      scf.if %cond3A_89 {
        %dma_wait3A_98 = arith.constant 0 : i32
        %dma_wait3A_99 = tpu.memref_slice %arg7[%multiple_of3A, %dma_wait3A_98] : memref<25600x896xf32, #tpu.memory_space<hbm>> -> memref<40x896xf32, #tpu.memory_space<hbm>>
        %dma_wait3A_100 = arith.constant 0 : i32
        %dma_wait3A_101 = tpu.memref_slice %arg7[%multiple_of3A, %dma_wait3A_100] : memref<25600x896xf32, #tpu.memory_space<hbm>> -> memref<40x896xf32, #tpu.memory_space<hbm>>
        tpu.wait_dma2 semaphore(%arg20 : memref<!tpu.dma_semaphore, #tpu.memory_space<semaphore_mem>>) src(%arg14 : memref<40x896xf32, #tpu.memory_space<vmem>>) dst(%dma_wait3A_101 : memref<40x896xf32, #tpu.memory_space<hbm>>)
        %add3A_102 = arith.constant 2 : i32
        %add3A_103 = arith.addi %mul3A_55, %add3A_102 : i32
        %mul3A_104 = arith.constant 40 : i32
        %mul3A_105 = arith.muli %add3A_103, %mul3A_104 : i32
        %multiple_of3A_106 = tpu.assume_multiple %mul3A_105, 40 : i32
        %dma_start3A_107 = tpu.memref_slice %arg9[%multiple_of3A_106] : memref<800xi32, #tpu.memory_space<vmem>> -> memref<40xi32, #tpu.memory_space<vmem>>
        %dma_start3A_108 = arith.constant 0 : i32
        %dma_start3A_109 = arith.constant 0 : i32
        %dma_start3A_110 = tpu.memref_slice %arg2[%dma_start3A_108, %dma_start3A_109] : memref<1000x896xf32, #tpu.memory_space<hbm>> -> memref<1000x896xf32, #tpu.memory_space<hbm>>
        tpu.enqueue_indirect_dma source(%dma_start3A_110 : memref<1000x896xf32, #tpu.memory_space<hbm>>) target(%arg14 : memref<40x896xf32, #tpu.memory_space<vmem>>) offsets(%dma_start3A_107 : memref<40xi32, #tpu.memory_space<vmem>>) semaphore(%arg18 : memref<!tpu.dma_semaphore, #tpu.memory_space<semaphore_mem>>)
      } else {
      }
      %add3A_90 = arith.constant 3 : i32
      %add3A_91 = arith.addi %mul3A_55, %add3A_90 : i32
      %lt3A_92 = arith.constant 20 : i32
      %lt3A_93 = arith.cmpi slt, %add3A_91, %lt3A_92 : i32
      %convert_element_type3A_94 = arith.extui %lt3A_93 : i1 to i32
      %cond3A_95 = arith.constant 0 : i32
      %cond3A_96 = arith.cmpi ne, %convert_element_type3A_94, %cond3A_95 : i32
      scf.if %cond3A_96 {
        %dma_wait3A_98 = arith.constant 0 : i32
        %dma_wait3A_99 = tpu.memref_slice %arg7[%multiple_of3A, %dma_wait3A_98] : memref<25600x896xf32, #tpu.memory_space<hbm>> -> memref<40x896xf32, #tpu.memory_space<hbm>>
        %dma_wait3A_100 = arith.constant 0 : i32
        %dma_wait3A_101 = tpu.memref_slice %arg7[%multiple_of3A, %dma_wait3A_100] : memref<25600x896xf32, #tpu.memory_space<hbm>> -> memref<40x896xf32, #tpu.memory_space<hbm>>
        tpu.wait_dma2 semaphore(%arg21 : memref<!tpu.dma_semaphore, #tpu.memory_space<semaphore_mem>>) src(%arg15 : memref<40x896xf32, #tpu.memory_space<vmem>>) dst(%dma_wait3A_101 : memref<40x896xf32, #tpu.memory_space<hbm>>)
        %add3A_102 = arith.constant 3 : i32
        %add3A_103 = arith.addi %mul3A_55, %add3A_102 : i32
        %mul3A_104 = arith.constant 40 : i32
        %mul3A_105 = arith.muli %add3A_103, %mul3A_104 : i32
        %multiple_of3A_106 = tpu.assume_multiple %mul3A_105, 40 : i32
        %dma_start3A_107 = tpu.memref_slice %arg9[%multiple_of3A_106] : memref<800xi32, #tpu.memory_space<vmem>> -> memref<40xi32, #tpu.memory_space<vmem>>
        %dma_start3A_108 = arith.constant 0 : i32
        %dma_start3A_109 = arith.constant 0 : i32
        %dma_start3A_110 = tpu.memref_slice %arg2[%dma_start3A_108, %dma_start3A_109] : memref<1000x896xf32, #tpu.memory_space<hbm>> -> memref<1000x896xf32, #tpu.memory_space<hbm>>
        tpu.enqueue_indirect_dma source(%dma_start3A_110 : memref<1000x896xf32, #tpu.memory_space<hbm>>) target(%arg15 : memref<40x896xf32, #tpu.memory_space<vmem>>) offsets(%dma_start3A_107 : memref<40xi32, #tpu.memory_space<vmem>>) semaphore(%arg19 : memref<!tpu.dma_semaphore, #tpu.memory_space<semaphore_mem>>)
      } else {
      }
      %scan3A_97 = arith.constant 0 : i32
      scf.yield %scan3A_97 : i32
    }
    %scan3A_43 = arith.constant 10 : i32
    %dma_wait3A_44 = arith.constant 0 : i32
    %dma_wait3A_45 = tpu.memref_slice %arg7[%multiple_of3A, %dma_wait3A_44] : memref<25600x896xf32, #tpu.memory_space<hbm>> -> memref<40x896xf32, #tpu.memory_space<hbm>>
    %dma_wait3A_46 = arith.constant 0 : i32
    %dma_wait3A_47 = tpu.memref_slice %arg7[%multiple_of3A, %dma_wait3A_46] : memref<25600x896xf32, #tpu.memory_space<hbm>> -> memref<40x896xf32, #tpu.memory_space<hbm>>
    tpu.wait_dma2 semaphore(%arg20 : memref<!tpu.dma_semaphore, #tpu.memory_space<semaphore_mem>>) src(%arg14 : memref<40x896xf32, #tpu.memory_space<vmem>>) dst(%dma_wait3A_47 : memref<40x896xf32, #tpu.memory_space<hbm>>)
    %dma_wait3A_48 = arith.constant 0 : i32
    %dma_wait3A_49 = tpu.memref_slice %arg7[%multiple_of3A, %dma_wait3A_48] : memref<25600x896xf32, #tpu.memory_space<hbm>> -> memref<40x896xf32, #tpu.memory_space<hbm>>
    %dma_wait3A_50 = arith.constant 0 : i32
    %dma_wait3A_51 = tpu.memref_slice %arg7[%multiple_of3A, %dma_wait3A_50] : memref<25600x896xf32, #tpu.memory_space<hbm>> -> memref<40x896xf32, #tpu.memory_space<hbm>>
    tpu.wait_dma2 semaphore(%arg21 : memref<!tpu.dma_semaphore, #tpu.memory_space<semaphore_mem>>) src(%arg15 : memref<40x896xf32, #tpu.memory_space<vmem>>) dst(%dma_wait3A_51 : memref<40x896xf32, #tpu.memory_space<hbm>>)
    return
  }
}

#map = affine_map<(d0, d1) -> (0, 0)>
#map1 = affine_map<(d0, d1) -> (0)>
module attributes {stable_mosaic.version = 14 : i64} {
  func.func @k(%arg0: i32, %arg1: i32, %arg2: memref<1000x896xf32, #tpu.memory_space<hbm>>, %arg3: memref<1000000xf32, #tpu.memory_space<hbm>>, %arg4: memref<25600xi32, #tpu.memory_space<hbm>>, %arg5: memref<25600xi32, #tpu.memory_space<hbm>>, %arg6: memref<1000xf32, #tpu.memory_space<hbm>>, %arg7: memref<25600x896xf32, #tpu.memory_space<hbm>>, %arg8: memref<32x16xf32, #tpu.memory_space<hbm>>, %arg9: memref<800xi32, #tpu.memory_space<vmem>>, %arg10: memref<800xi32, #tpu.memory_space<vmem>>, %arg11: memref<800xi32, #tpu.memory_space<vmem>>, %arg12: memref<800xf32, #tpu.memory_space<vmem>>, %arg13: memref<800xf32, #tpu.memory_space<vmem>>, %arg14: memref<40x896xf32, #tpu.memory_space<vmem>>, %arg15: memref<40x896xf32, #tpu.memory_space<vmem>>, %arg16: memref<16xf32, #tpu.memory_space<vmem>>, %arg17: memref<!tpu.dma_semaphore, #tpu.memory_space<semaphore_mem>>, %arg18: memref<!tpu.dma_semaphore, #tpu.memory_space<semaphore_mem>>, %arg19: memref<!tpu.dma_semaphore, #tpu.memory_space<semaphore_mem>>, %arg20: memref<!tpu.dma_semaphore, #tpu.memory_space<semaphore_mem>>, %arg21: memref<!tpu.dma_semaphore, #tpu.memory_space<semaphore_mem>>) attributes {dimension_semantics = [#tpu.dimension_semantics<core_parallel>, #tpu.dimension_semantics<subcore_parallel>], iteration_bounds = array<i64: 2, 16>, scalar_prefetch = 0 : i64, scratch_operands = 13 : i64, tpu.core_type = #tpu.core_type<sc_vector_subcore>, window_params = [{transform_indices = #map}, {transform_indices = #map1}, {transform_indices = #map1}, {transform_indices = #map1}, {transform_indices = #map1}, {transform_indices = #map}, {transform_indices = #map}]} {
    %mul3A = arith.constant 2 : i32
    %mul3A_0 = arith.muli %arg1, %mul3A : i32
    %add3A = arith.addi %mul3A_0, %arg0 : i32
    %mul3A_1 = arith.constant 800 : i32
    %mul3A_2 = arith.muli %add3A, %mul3A_1 : i32
    %multiple_of3A = tpu.assume_multiple %mul3A_2, 800 : i32
    "tpu.region"() ({
      %run_scoped3A = tpu.sem_alloc : memref<!tpu.dma_semaphore, #tpu.memory_space<semaphore_mem>>
      %dma_start3A_52 = tpu.memref_slice %arg4[%multiple_of3A] : memref<25600xi32, #tpu.memory_space<hbm>> -> memref<800xi32, #tpu.memory_space<hbm>>
      %dma_start3A_53 = tpu.memref_slice %arg4[%multiple_of3A] : memref<25600xi32, #tpu.memory_space<hbm>> -> memref<800xi32, #tpu.memory_space<hbm>>
      tpu.enqueue_dma source(%dma_start3A_53 : memref<800xi32, #tpu.memory_space<hbm>>) target(%arg9 : memref<800xi32, #tpu.memory_space<vmem>>) target_semaphore(%run_scoped3A : memref<!tpu.dma_semaphore, #tpu.memory_space<semaphore_mem>>)
      %dma_wait3A_54 = tpu.memref_slice %arg4[%multiple_of3A] : memref<25600xi32, #tpu.memory_space<hbm>> -> memref<800xi32, #tpu.memory_space<hbm>>
      %dma_wait3A_55 = tpu.memref_slice %arg4[%multiple_of3A] : memref<25600xi32, #tpu.memory_space<hbm>> -> memref<800xi32, #tpu.memory_space<hbm>>
      tpu.wait_dma2 semaphore(%run_scoped3A : memref<!tpu.dma_semaphore, #tpu.memory_space<semaphore_mem>>) src(%dma_wait3A_55 : memref<800xi32, #tpu.memory_space<hbm>>) dst(%arg9 : memref<800xi32, #tpu.memory_space<vmem>>)
      tpu.yield
    }) : () -> ()
    "tpu.region"() ({
      %run_scoped3A = tpu.sem_alloc : memref<!tpu.dma_semaphore, #tpu.memory_space<semaphore_mem>>
      %dma_start3A_52 = tpu.memref_slice %arg5[%multiple_of3A] : memref<25600xi32, #tpu.memory_space<hbm>> -> memref<800xi32, #tpu.memory_space<hbm>>
      %dma_start3A_53 = tpu.memref_slice %arg5[%multiple_of3A] : memref<25600xi32, #tpu.memory_space<hbm>> -> memref<800xi32, #tpu.memory_space<hbm>>
      tpu.enqueue_dma source(%dma_start3A_53 : memref<800xi32, #tpu.memory_space<hbm>>) target(%arg10 : memref<800xi32, #tpu.memory_space<vmem>>) target_semaphore(%run_scoped3A : memref<!tpu.dma_semaphore, #tpu.memory_space<semaphore_mem>>)
      %dma_wait3A_54 = tpu.memref_slice %arg5[%multiple_of3A] : memref<25600xi32, #tpu.memory_space<hbm>> -> memref<800xi32, #tpu.memory_space<hbm>>
      %dma_wait3A_55 = tpu.memref_slice %arg5[%multiple_of3A] : memref<25600xi32, #tpu.memory_space<hbm>> -> memref<800xi32, #tpu.memory_space<hbm>>
      tpu.wait_dma2 semaphore(%run_scoped3A : memref<!tpu.dma_semaphore, #tpu.memory_space<semaphore_mem>>) src(%dma_wait3A_55 : memref<800xi32, #tpu.memory_space<hbm>>) dst(%arg10 : memref<800xi32, #tpu.memory_space<vmem>>)
      tpu.yield
    }) : () -> ()
    %multiple_of3A_3 = arith.constant 0 : i32
    %multiple_of3A_4 = tpu.assume_multiple %multiple_of3A_3, 40 : i32
    %dma_start3A = tpu.memref_slice %arg9[%multiple_of3A_4] : memref<800xi32, #tpu.memory_space<vmem>> -> memref<40xi32, #tpu.memory_space<vmem>>
    %dma_start3A_5 = arith.constant 0 : i32
    %dma_start3A_6 = arith.constant 0 : i32
    %dma_start3A_7 = tpu.memref_slice %arg2[%dma_start3A_5, %dma_start3A_6] : memref<1000x896xf32, #tpu.memory_space<hbm>> -> memref<1000x896xf32, #tpu.memory_space<hbm>>
    tpu.enqueue_indirect_dma source(%dma_start3A_7 : memref<1000x896xf32, #tpu.memory_space<hbm>>) target(%arg14 : memref<40x896xf32, #tpu.memory_space<vmem>>) offsets(%dma_start3A : memref<40xi32, #tpu.memory_space<vmem>>) semaphore(%arg18 : memref<!tpu.dma_semaphore, #tpu.memory_space<semaphore_mem>>)
    %multiple_of3A_8 = arith.constant 40 : i32
    %multiple_of3A_9 = tpu.assume_multiple %multiple_of3A_8, 40 : i32
    %dma_start3A_10 = tpu.memref_slice %arg9[%multiple_of3A_9] : memref<800xi32, #tpu.memory_space<vmem>> -> memref<40xi32, #tpu.memory_space<vmem>>
    %dma_start3A_11 = arith.constant 0 : i32
    %dma_start3A_12 = arith.constant 0 : i32
    %dma_start3A_13 = tpu.memref_slice %arg2[%dma_start3A_11, %dma_start3A_12] : memref<1000x896xf32, #tpu.memory_space<hbm>> -> memref<1000x896xf32, #tpu.memory_space<hbm>>
    tpu.enqueue_indirect_dma source(%dma_start3A_13 : memref<1000x896xf32, #tpu.memory_space<hbm>>) target(%arg15 : memref<40x896xf32, #tpu.memory_space<vmem>>) offsets(%dma_start3A_10 : memref<40xi32, #tpu.memory_space<vmem>>) semaphore(%arg19 : memref<!tpu.dma_semaphore, #tpu.memory_space<semaphore_mem>>)
    %scan3A = arith.constant 0 : i32
    %scan3A_14 = arith.constant 0 : i32
    %scan3A_15 = arith.constant 50 : i32
    %scan3A_16 = arith.addi %scan3A_14, %scan3A_15 : i32
    %scan3A_17 = arith.constant 1 : i32
    %scan3A_18 = scf.for %scan3A_52 = %scan3A_14 to %scan3A_16 step %scan3A_17 iter_args(%scan3A_53 = %scan3A) -> (i32)  : i32 {
      %mul3A_54 = arith.constant 16 : i32
      %mul3A_55 = arith.muli %scan3A_52, %mul3A_54 : i32
      %multiple_of3A_56 = tpu.assume_multiple %mul3A_55, 16 : i32
      %get3A = arith.index_cast %multiple_of3A_56 : i32 to index
      %get3A_57 = tpu.vector_load %arg9[%get3A] {strides = array<i32>} : memref<800xi32, #tpu.memory_space<vmem>>, vector<16xi32>,
      %get3A_58 = vector.shape_cast %get3A_57 : vector<16xi32> to vector<16xi32>
      %mul3A_59 = arith.constant 1000 : i32
      %mul3A_60 = vector.broadcast %mul3A_59 : i32 to vector<16xi32>
      %mul3A_61 = arith.muli %get3A_58, %mul3A_60 : vector<16xi32>
      %get3A_62 = arith.index_cast %multiple_of3A_56 : i32 to index
      %get3A_63 = tpu.vector_load %arg10[%get3A_62] {strides = array<i32>} : memref<800xi32, #tpu.memory_space<vmem>>, vector<16xi32>,
      %get3A_64 = vector.shape_cast %get3A_63 : vector<16xi32> to vector<16xi32>
      %add3A_65 = arith.addi %mul3A_61, %get3A_64 : vector<16xi32>
      %swap3A_66 = arith.index_cast %multiple_of3A_56 : i32 to index
      %swap3A_67 = tpu.vector_load %arg11[%swap3A_66] {strides = array<i32>} : memref<800xi32, #tpu.memory_space<vmem>>, vector<16xi32>,
      %swap3A_68 = vector.shape_cast %swap3A_67 : vector<16xi32> to vector<16xi32>
      %swap3A_69 = vector.shape_cast %add3A_65 : vector<16xi32> to vector<16xi32>
      tpu.vector_store %arg11[%swap3A_66], %swap3A_69 {strides = array<i32>} : memref<800xi32, #tpu.memory_space<vmem>>, vector<16xi32>,
      %scan3A_70 = arith.constant 0 : i32
      scf.yield %scan3A_70 : i32
    }
    %scan3A_19 = arith.constant 50 : i32
    %dma_start3A_20 = arith.constant 0 : i32
    %dma_start3A_21 = tpu.memref_slice %arg3[%dma_start3A_20] : memref<1000000xf32, #tpu.memory_space<hbm>> -> memref<1000000xf32, #tpu.memory_space<hbm>>
    tpu.enqueue_indirect_dma source(%dma_start3A_21 : memref<1000000xf32, #tpu.memory_space<hbm>>) target(%arg12 : memref<800xf32, #tpu.memory_space<vmem>>) offsets(%arg11 : memref<800xi32, #tpu.memory_space<vmem>>) semaphore(%arg17 : memref<!tpu.dma_semaphore, #tpu.memory_space<semaphore_mem>>)
    %dma_start3A_22 = arith.constant 0 : i32
    %dma_start3A_23 = tpu.memref_slice %arg6[%dma_start3A_22] : memref<1000xf32, #tpu.memory_space<hbm>> -> memref<1000xf32, #tpu.memory_space<hbm>>
    tpu.enqueue_indirect_dma source(%dma_start3A_23 : memref<1000xf32, #tpu.memory_space<hbm>>) target(%arg13 : memref<800xf32, #tpu.memory_space<vmem>>) offsets(%arg9 : memref<800xi32, #tpu.memory_space<vmem>>) semaphore(%arg17 : memref<!tpu.dma_semaphore, #tpu.memory_space<semaphore_mem>>)
    %dma_wait3A = arith.constant 0 : i32
    %dma_wait3A_24 = tpu.memref_slice %arg3[%dma_wait3A] : memref<1000000xf32, #tpu.memory_space<hbm>> -> memref<1000000xf32, #tpu.memory_space<hbm>>
    tpu.wait_indirect_dma semaphore(%arg17 : memref<!tpu.dma_semaphore, #tpu.memory_space<semaphore_mem>>) src(%dma_wait3A_24 : memref<1000000xf32, #tpu.memory_space<hbm>>) dst(%arg12 : memref<800xf32, #tpu.memory_space<vmem>>)
    %dma_wait3A_25 = arith.constant 0 : i32
    %dma_wait3A_26 = tpu.memref_slice %arg6[%dma_wait3A_25] : memref<1000xf32, #tpu.memory_space<hbm>> -> memref<1000xf32, #tpu.memory_space<hbm>>
    tpu.wait_indirect_dma semaphore(%arg17 : memref<!tpu.dma_semaphore, #tpu.memory_space<semaphore_mem>>) src(%dma_wait3A_26 : memref<1000xf32, #tpu.memory_space<hbm>>) dst(%arg13 : memref<800xf32, #tpu.memory_space<vmem>>)
    %broadcast_in_dim3A = arith.constant 0.000000e+00 : f32
    %broadcast_in_dim3A_27 = vector.broadcast %broadcast_in_dim3A : f32 to vector<16xf32>
    %scan3A_28 = arith.constant 0 : i32
    %scan3A_29 = arith.constant 50 : i32
    %scan3A_30 = arith.addi %scan3A_28, %scan3A_29 : i32
    %scan3A_31 = arith.constant 1 : i32
    %scan3A_32 = scf.for %scan3A_52 = %scan3A_28 to %scan3A_30 step %scan3A_31 iter_args(%scan3A_53 = %broadcast_in_dim3A_27) -> (vector<16xf32>)  : i32 {
      %mul3A_54 = arith.constant 16 : i32
      %mul3A_55 = arith.muli %scan3A_52, %mul3A_54 : i32
      %multiple_of3A_56 = tpu.assume_multiple %mul3A_55, 16 : i32
      %get3A = arith.index_cast %multiple_of3A_56 : i32 to index
      %get3A_57 = tpu.vector_load %arg13[%get3A] {strides = array<i32>} : memref<800xf32, #tpu.memory_space<vmem>>, vector<16xf32>,
      %get3A_58 = vector.shape_cast %get3A_57 : vector<16xf32> to vector<16xf32>
      %get3A_59 = arith.index_cast %multiple_of3A_56 : i32 to index
      %get3A_60 = tpu.vector_load %arg12[%get3A_59] {strides = array<i32>} : memref<800xf32, #tpu.memory_space<vmem>>, vector<16xf32>,
      %get3A_61 = vector.shape_cast %get3A_60 : vector<16xf32> to vector<16xf32>
      %sub3A = arith.subf %get3A_58, %get3A_61 : vector<16xf32>
      %add3A_62 = arith.addf %scan3A_53, %sub3A : vector<16xf32>
      scf.yield %add3A_62 : vector<16xf32>
    }
    %scan3A_33 = arith.constant 50 : i32
    %swap3A = arith.constant 0 : index
    %swap3A_34 = tpu.vector_load %arg16[%swap3A] {strides = array<i32>} : memref<16xf32, #tpu.memory_space<vmem>>, vector<16xf32>,
    %swap3A_35 = vector.shape_cast %swap3A_34 : vector<16xf32> to vector<16xf32>
    %swap3A_36 = vector.shape_cast %scan3A_32 : vector<16xf32> to vector<16xf32>
    tpu.vector_store %arg16[%swap3A], %swap3A_36 {strides = array<i32>} : memref<16xf32, #tpu.memory_space<vmem>>, vector<16xf32>,
    "tpu.region"() ({
      %run_scoped3A = tpu.sem_alloc : memref<!tpu.dma_semaphore, #tpu.memory_space<semaphore_mem>>
      %dma_start3A_52 = arith.constant 0 : i32
      %dma_start3A_53 = tpu.memref_slice %arg8[%add3A, %dma_start3A_52] : memref<32x16xf32, #tpu.memory_space<hbm>> -> memref<1x16xf32, #tpu.memory_space<hbm>>
      %dma_start3A_54 = tpu.memref_squeeze %dma_start3A_53 : memref<1x16xf32, #tpu.memory_space<hbm>> -> memref<16xf32, #tpu.memory_space<hbm>>
      %dma_start3A_55 = arith.constant 0 : i32
      %dma_start3A_56 = tpu.memref_slice %arg8[%add3A, %dma_start3A_55] : memref<32x16xf32, #tpu.memory_space<hbm>> -> memref<1x16xf32, #tpu.memory_space<hbm>>
      %dma_start3A_57 = tpu.memref_squeeze %dma_start3A_56 : memref<1x16xf32, #tpu.memory_space<hbm>> -> memref<16xf32, #tpu.memory_space<hbm>>
      tpu.enqueue_dma source(%arg16 : memref<16xf32, #tpu.memory_space<vmem>>) target(%dma_start3A_57 : memref<16xf32, #tpu.memory_space<hbm>>) target_semaphore(%run_scoped3A : memref<!tpu.dma_semaphore, #tpu.memory_space<semaphore_mem>>)
      %dma_wait3A_58 = arith.constant 0 : i32
      %dma_wait3A_59 = tpu.memref_slice %arg8[%add3A, %dma_wait3A_58] : memref<32x16xf32, #tpu.memory_space<hbm>> -> memref<1x16xf32, #tpu.memory_space<hbm>>
      %dma_wait3A_60 = tpu.memref_squeeze %dma_wait3A_59 : memref<1x16xf32, #tpu.memory_space<hbm>> -> memref<16xf32, #tpu.memory_space<hbm>>
      %dma_wait3A_61 = arith.constant 0 : i32
      %dma_wait3A_62 = tpu.memref_slice %arg8[%add3A, %dma_wait3A_61] : memref<32x16xf32, #tpu.memory_space<hbm>> -> memref<1x16xf32, #tpu.memory_space<hbm>>
      %dma_wait3A_63 = tpu.memref_squeeze %dma_wait3A_62 : memref<1x16xf32, #tpu.memory_space<hbm>> -> memref<16xf32, #tpu.memory_space<hbm>>
      tpu.wait_dma2 semaphore(%run_scoped3A : memref<!tpu.dma_semaphore, #tpu.memory_space<semaphore_mem>>) src(%arg16 : memref<16xf32, #tpu.memory_space<vmem>>) dst(%dma_wait3A_63 : memref<16xf32, #tpu.memory_space<hbm>>)
      tpu.yield
    }) : () -> ()
    %scan3A_37 = arith.constant 0 : i32
    %scan3A_38 = arith.constant 0 : i32
    %scan3A_39 = arith.constant 10 : i32
    %scan3A_40 = arith.addi %scan3A_38, %scan3A_39 : i32
    %scan3A_41 = arith.constant 1 : i32
    %scan3A_42 = scf.for %scan3A_52 = %scan3A_38 to %scan3A_40 step %scan3A_41 iter_args(%scan3A_53 = %scan3A_37) -> (i32)  : i32 {
      %mul3A_54 = arith.constant 2 : i32
      %mul3A_55 = arith.muli %scan3A_52, %mul3A_54 : i32
      %add3A_56 = arith.constant 0 : i32
      %add3A_57 = arith.addi %mul3A_55, %add3A_56 : i32
      %dma_wait3A_58 = arith.constant 0 : i32
      %dma_wait3A_59 = tpu.memref_slice %arg9[%dma_wait3A_58] : memref<800xi32, #tpu.memory_space<vmem>> -> memref<40xi32, #tpu.memory_space<vmem>>
      %dma_wait3A_60 = arith.constant 0 : i32
      %dma_wait3A_61 = arith.constant 0 : i32
      %dma_wait3A_62 = tpu.memref_slice %arg2[%dma_wait3A_60, %dma_wait3A_61] : memref<1000x896xf32, #tpu.memory_space<hbm>> -> memref<1000x896xf32, #tpu.memory_space<hbm>>
      tpu.wait_indirect_dma semaphore(%arg18 : memref<!tpu.dma_semaphore, #tpu.memory_space<semaphore_mem>>) src(%dma_wait3A_62 : memref<1000x896xf32, #tpu.memory_space<hbm>>) dst(%arg14 : memref<40x896xf32, #tpu.memory_space<vmem>>)
      %mul3A_63 = arith.constant 40 : i32
      %mul3A_64 = arith.muli %add3A_57, %mul3A_63 : i32
      %multiple_of3A_65 = tpu.assume_multiple %mul3A_64, 40 : i32
      %add3A_66 = arith.addi %multiple_of3A, %multiple_of3A_65 : i32
      %dma_start3A_67 = arith.constant 0 : i32
      %dma_start3A_68 = tpu.memref_slice %arg7[%add3A_66, %dma_start3A_67] : memref<25600x896xf32, #tpu.memory_space<hbm>> -> memref<40x896xf32, #tpu.memory_space<hbm>>
      %dma_start3A_69 = arith.constant 0 : i32
      %dma_start3A_70 = tpu.memref_slice %arg7[%add3A_66, %dma_start3A_69] : memref<25600x896xf32, #tpu.memory_space<hbm>> -> memref<40x896xf32, #tpu.memory_space<hbm>>
      tpu.enqueue_dma source(%arg14 : memref<40x896xf32, #tpu.memory_space<vmem>>) target(%dma_start3A_70 : memref<40x896xf32, #tpu.memory_space<hbm>>) target_semaphore(%arg20 : memref<!tpu.dma_semaphore, #tpu.memory_space<semaphore_mem>>)
      %add3A_71 = arith.constant 1 : i32
      %add3A_72 = arith.addi %mul3A_55, %add3A_71 : i32
      %dma_wait3A_73 = arith.constant 0 : i32
      %dma_wait3A_74 = tpu.memref_slice %arg9[%dma_wait3A_73] : memref<800xi32, #tpu.memory_space<vmem>> -> memref<40xi32, #tpu.memory_space<vmem>>
      %dma_wait3A_75 = arith.constant 0 : i32
      %dma_wait3A_76 = arith.constant 0 : i32
      %dma_wait3A_77 = tpu.memref_slice %arg2[%dma_wait3A_75, %dma_wait3A_76] : memref<1000x896xf32, #tpu.memory_space<hbm>> -> memref<1000x896xf32, #tpu.memory_space<hbm>>
      tpu.wait_indirect_dma semaphore(%arg19 : memref<!tpu.dma_semaphore, #tpu.memory_space<semaphore_mem>>) src(%dma_wait3A_77 : memref<1000x896xf32, #tpu.memory_space<hbm>>) dst(%arg15 : memref<40x896xf32, #tpu.memory_space<vmem>>)
      %mul3A_78 = arith.constant 40 : i32
      %mul3A_79 = arith.muli %add3A_72, %mul3A_78 : i32
      %multiple_of3A_80 = tpu.assume_multiple %mul3A_79, 40 : i32
      %add3A_81 = arith.addi %multiple_of3A, %multiple_of3A_80 : i32
      %dma_start3A_82 = arith.constant 0 : i32
      %dma_start3A_83 = tpu.memref_slice %arg7[%add3A_81, %dma_start3A_82] : memref<25600x896xf32, #tpu.memory_space<hbm>> -> memref<40x896xf32, #tpu.memory_space<hbm>>
      %dma_start3A_84 = arith.constant 0 : i32
      %dma_start3A_85 = tpu.memref_slice %arg7[%add3A_81, %dma_start3A_84] : memref<25600x896xf32, #tpu.memory_space<hbm>> -> memref<40x896xf32, #tpu.memory_space<hbm>>
      tpu.enqueue_dma source(%arg15 : memref<40x896xf32, #tpu.memory_space<vmem>>) target(%dma_start3A_85 : memref<40x896xf32, #tpu.memory_space<hbm>>) target_semaphore(%arg21 : memref<!tpu.dma_semaphore, #tpu.memory_space<semaphore_mem>>)
      %add3A_86 = arith.constant 2 : i32
      %add3A_87 = arith.addi %mul3A_55, %add3A_86 : i32
      %lt3A = arith.constant 20 : i32
      %lt3A_88 = arith.cmpi slt, %add3A_87, %lt3A : i32
      %convert_element_type3A = arith.extui %lt3A_88 : i1 to i32
      %cond3A = arith.constant 0 : i32
      %cond3A_89 = arith.cmpi ne, %convert_element_type3A, %cond3A : i32
      scf.if %cond3A_89 {
        %dma_wait3A_98 = arith.constant 0 : i32
        %dma_wait3A_99 = tpu.memref_slice %arg7[%multiple_of3A, %dma_wait3A_98] : memref<25600x896xf32, #tpu.memory_space<hbm>> -> memref<40x896xf32, #tpu.memory_space<hbm>>
        %dma_wait3A_100 = arith.constant 0 : i32
        %dma_wait3A_101 = tpu.memref_slice %arg7[%multiple_of3A, %dma_wait3A_100] : memref<25600x896xf32, #tpu.memory_space<hbm>> -> memref<40x896xf32, #tpu.memory_space<hbm>>
        tpu.wait_dma2 semaphore(%arg20 : memref<!tpu.dma_semaphore, #tpu.memory_space<semaphore_mem>>) src(%arg14 : memref<40x896xf32, #tpu.memory_space<vmem>>) dst(%dma_wait3A_101 : memref<40x896xf32, #tpu.memory_space<hbm>>)
        %add3A_102 = arith.constant 2 : i32
        %add3A_103 = arith.addi %mul3A_55, %add3A_102 : i32
        %mul3A_104 = arith.constant 40 : i32
        %mul3A_105 = arith.muli %add3A_103, %mul3A_104 : i32
        %multiple_of3A_106 = tpu.assume_multiple %mul3A_105, 40 : i32
        %dma_start3A_107 = tpu.memref_slice %arg9[%multiple_of3A_106] : memref<800xi32, #tpu.memory_space<vmem>> -> memref<40xi32, #tpu.memory_space<vmem>>
        %dma_start3A_108 = arith.constant 0 : i32
        %dma_start3A_109 = arith.constant 0 : i32
        %dma_start3A_110 = tpu.memref_slice %arg2[%dma_start3A_108, %dma_start3A_109] : memref<1000x896xf32, #tpu.memory_space<hbm>> -> memref<1000x896xf32, #tpu.memory_space<hbm>>
        tpu.enqueue_indirect_dma source(%dma_start3A_110 : memref<1000x896xf32, #tpu.memory_space<hbm>>) target(%arg14 : memref<40x896xf32, #tpu.memory_space<vmem>>) offsets(%dma_start3A_107 : memref<40xi32, #tpu.memory_space<vmem>>) semaphore(%arg18 : memref<!tpu.dma_semaphore, #tpu.memory_space<semaphore_mem>>)
      } else {
      }
      %add3A_90 = arith.constant 3 : i32
      %add3A_91 = arith.addi %mul3A_55, %add3A_90 : i32
      %lt3A_92 = arith.constant 20 : i32
      %lt3A_93 = arith.cmpi slt, %add3A_91, %lt3A_92 : i32
      %convert_element_type3A_94 = arith.extui %lt3A_93 : i1 to i32
      %cond3A_95 = arith.constant 0 : i32
      %cond3A_96 = arith.cmpi ne, %convert_element_type3A_94, %cond3A_95 : i32
      scf.if %cond3A_96 {
        %dma_wait3A_98 = arith.constant 0 : i32
        %dma_wait3A_99 = tpu.memref_slice %arg7[%multiple_of3A, %dma_wait3A_98] : memref<25600x896xf32, #tpu.memory_space<hbm>> -> memref<40x896xf32, #tpu.memory_space<hbm>>
        %dma_wait3A_100 = arith.constant 0 : i32
        %dma_wait3A_101 = tpu.memref_slice %arg7[%multiple_of3A, %dma_wait3A_100] : memref<25600x896xf32, #tpu.memory_space<hbm>> -> memref<40x896xf32, #tpu.memory_space<hbm>>
        tpu.wait_dma2 semaphore(%arg21 : memref<!tpu.dma_semaphore, #tpu.memory_space<semaphore_mem>>) src(%arg15 : memref<40x896xf32, #tpu.memory_space<vmem>>) dst(%dma_wait3A_101 : memref<40x896xf32, #tpu.memory_space<hbm>>)
        %add3A_102 = arith.constant 3 : i32
        %add3A_103 = arith.addi %mul3A_55, %add3A_102 : i32
        %mul3A_104 = arith.constant 40 : i32
        %mul3A_105 = arith.muli %add3A_103, %mul3A_104 : i32
        %multiple_of3A_106 = tpu.assume_multiple %mul3A_105, 40 : i32
        %dma_start3A_107 = tpu.memref_slice %arg9[%multiple_of3A_106] : memref<800xi32, #tpu.memory_space<vmem>> -> memref<40xi32, #tpu.memory_space<vmem>>
        %dma_start3A_108 = arith.constant 0 : i32
        %dma_start3A_109 = arith.constant 0 : i32
        %dma_start3A_110 = tpu.memref_slice %arg2[%dma_start3A_108, %dma_start3A_109] : memref<1000x896xf32, #tpu.memory_space<hbm>> -> memref<1000x896xf32, #tpu.memory_space<hbm>>
        tpu.enqueue_indirect_dma source(%dma_start3A_110 : memref<1000x896xf32, #tpu.memory_space<hbm>>) target(%arg15 : memref<40x896xf32, #tpu.memory_space<vmem>>) offsets(%dma_start3A_107 : memref<40xi32, #tpu.memory_space<vmem>>) semaphore(%arg19 : memref<!tpu.dma_semaphore, #tpu.memory_space<semaphore_mem>>)
      } else {
      }
      %scan3A_97 = arith.constant 0 : i32
      scf.yield %scan3A_97 : i32
    }
    %scan3A_43 = arith.constant 10 : i32
    %dma_wait3A_44 = arith.constant 0 : i32
    %dma_wait3A_45 = tpu.memref_slice %arg7[%multiple_of3A, %dma_wait3A_44] : memref<25600x896xf32, #tpu.memory_space<hbm>> -> memref<40x896xf32, #tpu.memory_space<hbm>>
    %dma_wait3A_46 = arith.constant 0 : i32
    %dma_wait3A_47 = tpu.memref_slice %arg7[%multiple_of3A, %dma_wait3A_46] : memref<25600x896xf32, #tpu.memory_space<hbm>> -> memref<40x896xf32, #tpu.memory_space<hbm>>
    tpu.wait_dma2 semaphore(%arg20 : memref<!tpu.dma_semaphore, #tpu.memory_space<semaphore_mem>>) src(%arg14 : memref<40x896xf32, #tpu.memory_space<vmem>>) dst(%dma_wait3A_47 : memref<40x896xf32, #tpu.memory_space<hbm>>)
    %dma_wait3A_48 = arith.constant 0 : i32
    %dma_wait3A_49 = tpu.memref_slice %arg7[%multiple_of3A, %dma_wait3A_48] : memref<25600x896xf32, #tpu.memory_space<hbm>> -> memref<40x896xf32, #tpu.memory_space<hbm>>
    %dma_wait3A_50 = arith.constant 0 : i32
    %dma_wait3A_51 = tpu.memref_slice %arg7[%multiple_of3A, %dma_wait3A_50] : memref<25600x896xf32, #tpu.memory_space<hbm>> -> memref<40x896xf32, #tpu.memory_space<hbm>>
    tpu.wait_dma2 semaphore(%arg21 : memref<!tpu.dma_semaphore, #tpu.memory_space<semaphore_mem>>) src(%arg15 : memref<40x896xf32, #tpu.memory_space<vmem>>) dst(%dma_wait3A_51 : memref<40x896xf32, #tpu.memory_space<hbm>>)
    return
  }
}

module attributes {stable_mosaic.version = 14 : i64} {
  func.func @_logz_body(%arg0: memref<1000x1000xf32, #tpu.memory_space<vmem>>, %arg1: memref<1000x1xf32, #tpu.memory_space<vmem>>) attributes {dimension_semantics = [], scalar_prefetch = 0 : i64, scratch_operands = 0 : i64, tpu.core_type = #tpu.core_type<tc>} {
    %get3A = arith.constant 0 : index
    %get3A_0 = arith.constant 0 : index
    %get3A_1 = vector.load %arg0[%get3A, %get3A_0] : memref<1000x1000xf32, #tpu.memory_space<vmem>>, vector<1000x1000xf32>
    %reduce_max3A = arith.constant dense<0xFF800000> : vector<1000xf32>
    %reduce_max3A_2 = vector.multi_reduction <maximumf>, %get3A_1, %reduce_max3A [1] : vector<1000x1000xf32> to vector<1000xf32>
    %broadcast_in_dim3A = vector.shape_cast %reduce_max3A_2 : vector<1000xf32> to vector<1000x1xf32>
    %sub3A = vector.broadcast %broadcast_in_dim3A : vector<1000x1xf32> to vector<1000x1000xf32>
    %sub3A_3 = arith.subf %get3A_1, %sub3A : vector<1000x1000xf32>
    %exp3A = math.exp %sub3A_3 : vector<1000x1000xf32>
    %reduce_sum3A = arith.constant dense<0.000000e+00> : vector<1000xf32>
    %reduce_sum3A_4 = vector.multi_reduction <add>, %exp3A, %reduce_sum3A [1] : vector<1000x1000xf32> to vector<1000xf32>
    %broadcast_in_dim3A_5 = vector.shape_cast %reduce_sum3A_4 : vector<1000xf32> to vector<1000x1xf32>
    %log3A = math.log %broadcast_in_dim3A_5 : vector<1000x1xf32>
    %add3A = arith.addf %broadcast_in_dim3A, %log3A : vector<1000x1xf32>
    %swap3A = arith.constant 0 : index
    %swap3A_6 = arith.constant 0 : index
    %swap3A_7 = vector.load %arg1[%swap3A, %swap3A_6] : memref<1000x1xf32, #tpu.memory_space<vmem>>, vector<1000x1xf32>
    tpu.vector_store %arg1[%swap3A, %swap3A_6], %add3A {strides = array<i32>} : memref<1000x1xf32, #tpu.memory_space<vmem>>, vector<1000x1xf32>,
    return
  }
}

module attributes {stable_mosaic.version = 14 : i64} {
  func.func @_relayout_a_body(%arg0: i32, %arg1: memref<1x1x1280xi32, #tpu.memory_space<vmem>>, %arg2: memref<104x1000xf32, #tpu.memory_space<vmem>>, %arg3: memref<1280x896xf32, #tpu.memory_space<vmem>>, %arg4: memref<1000x1280xf32, #tpu.memory_space<vmem>>) attributes {dimension_semantics = [#tpu.dimension_semantics<arbitrary>], iteration_bounds = array<i64: 20>, scalar_prefetch = 0 : i64, scratch_operands = 0 : i64, tpu.core_type = #tpu.core_type<tc>, window_params = [{transform_indices = @transform_0, window_bounds = array<i64: 1, 1, 1280>}, {pipeline_mode = #tpu.pipeline_mode<synchronous>, transform_indices = @transform_1, window_bounds = array<i64: 104, 1000>}, {transform_indices = @transform_2, window_bounds = array<i64: 1280, 896>}, {transform_indices = @transform_3, window_bounds = array<i64: 1000, 1280>}]} {
    %get3A = arith.constant 0 : index
    %get3A_0 = arith.constant 0 : index
    %get3A_1 = vector.load %arg3[%get3A, %get3A_0] : memref<1280x896xf32, #tpu.memory_space<vmem>>, vector<1280x896xf32>
    %transpose3A = tpu.transpose %get3A_1, [1, 0] : vector<1280x896xf32> -> vector<896x1280xf32>
    %swap3A = arith.constant 0 : index
    %swap3A_2 = arith.constant 0 : index
    %swap3A_3 = vector.load %arg4[%swap3A, %swap3A_2] : memref<1000x1280xf32, #tpu.memory_space<vmem>>, vector<896x1280xf32>
    tpu.vector_store %arg4[%swap3A, %swap3A_2], %transpose3A {strides = array<i32>} : memref<1000x1280xf32, #tpu.memory_space<vmem>>, vector<896x1280xf32>,
    %get3A_4 = arith.constant 0 : index
    %get3A_5 = arith.constant 0 : index
    %get3A_6 = arith.constant 0 : index
    %get3A_7 = vector.load %arg1[%get3A_4, %get3A_5, %get3A_6] : memref<1x1x1280xi32, #tpu.memory_space<vmem>>, vector<1x1x1280xi32>
    %get3A_8 = vector.shape_cast %get3A_7 : vector<1x1x1280xi32> to vector<1280xi32>
    %iota3A = tpu.iota {dimensions = array<i32: 0>} : vector<1000x1280xi32>
    %broadcast_in_dim3A = vector.shape_cast %get3A_8 : vector<1280xi32> to vector<1x1280xi32>
    %eq3A = vector.broadcast %broadcast_in_dim3A : vector<1x1280xi32> to vector<1000x1280xi32>
    %eq3A_9 = arith.cmpi eq, %iota3A, %eq3A : vector<1000x1280xi32>
    %convert_element_type3A = arith.extui %eq3A_9 : vector<1000x1280xi1> to vector<1000x1280xi32>
    %convert_element_type3A_10 = arith.sitofp %convert_element_type3A : vector<1000x1280xi32> to vector<1000x1280xf32>
    %get3A_11 = arith.constant 0 : index
    %get3A_12 = arith.constant 0 : index
    %get3A_13 = vector.load %arg2[%get3A_11, %get3A_12] : memref<104x1000xf32, #tpu.memory_space<vmem>>, vector<104x1000xf32>
    %dot_general3A = arith.constant dense<0.000000e+00> : vector<104x1280xf32>
    %dot_general3A_14 = tpu.matmul %get3A_13, %convert_element_type3A_10, %dot_general3A {dimension_numbers = #tpu.dot_dimension_numbers<[1], [0], [0], [1], [0, 0, 1, 1], [], []>, transpose_lhs_hint = false} : vector<104x1000xf32>, vector<1000x1280xf32>, vector<104x1280xf32> -> vector<104x1280xf32>
    %swap3A_15 = arith.constant 896 : index
    %swap3A_16 = arith.constant 0 : index
    %swap3A_17 = vector.load %arg4[%swap3A_15, %swap3A_16] : memref<1000x1280xf32, #tpu.memory_space<vmem>>, vector<104x1280xf32>
    tpu.vector_store %arg4[%swap3A_15, %swap3A_16], %dot_general3A_14 {strides = array<i32>} : memref<1000x1280xf32, #tpu.memory_space<vmem>>, vector<104x1280xf32>,
    return
  }
  func.func @transform_0(%arg0: i32) -> (i32, i32, i32) {
    %c0_i32 = arith.constant 0 : i32
    %c0_i32_0 = arith.constant 0 : i32
    %c0_i32_1 = arith.constant 0 : i32
    return %arg0, %c0_i32, %c0_i32_0 : i32, i32, i32
  }
  func.func @transform_1(%arg0: i32) -> (i32, i32) {
    %c0_i32 = arith.constant 0 : i32
    %c0_i32_0 = arith.constant 0 : i32
    %c0_i32_1 = arith.constant 0 : i32
    return %c0_i32, %c0_i32_0 : i32, i32
  }
  func.func @transform_2(%arg0: i32) -> (i32, i32) {
    %c0_i32 = arith.constant 0 : i32
    %c0_i32_0 = arith.constant 0 : i32
    return %arg0, %c0_i32 : i32, i32
  }
  func.func @transform_3(%arg0: i32) -> (i32, i32) {
    %c0_i32 = arith.constant 0 : i32
    %c0_i32_0 = arith.constant 0 : i32
    return %c0_i32, %arg0 : i32, i32
  }
}

module attributes {stable_mosaic.version = 14 : i64} {
  func.func @_relayout_b_body(%arg0: i32, %arg1: memref<1x1x1280xi32, #tpu.memory_space<vmem>>, %arg2: memref<104x1000xf32, #tpu.memory_space<vmem>>, %arg3: memref<32x16xf32, #tpu.memory_space<vmem>>, %arg4: memref<32x16xf32, #tpu.memory_space<vmem>>, %arg5: memref<1280x896xf32, #tpu.memory_space<vmem>>, %arg6: memref<1000x51200xf32, #tpu.memory_space<any>>, %arg7: memref<1000x1280xf32, #tpu.memory_space<vmem>>, %arg8: memref<1x1xf32, #tpu.memory_space<smem>>) attributes {dimension_semantics = [#tpu.dimension_semantics<arbitrary>], iteration_bounds = array<i64: 20>, scalar_prefetch = 0 : i64, scratch_operands = 0 : i64, tpu.core_type = #tpu.core_type<tc>, window_params = [{transform_indices = @transform_0, window_bounds = array<i64: 1, 1, 1280>}, {pipeline_mode = #tpu.pipeline_mode<synchronous>, transform_indices = @transform_1, window_bounds = array<i64: 104, 1000>}, {pipeline_mode = #tpu.pipeline_mode<synchronous>, transform_indices = @transform_2, window_bounds = array<i64: 32, 16>}, {pipeline_mode = #tpu.pipeline_mode<synchronous>, transform_indices = @transform_3, window_bounds = array<i64: 32, 16>}, {transform_indices = @transform_4, window_bounds = array<i64: 1280, 896>}, {}, {transform_indices = @transform_6, window_bounds = array<i64: 1000, 1280>}, {transform_indices = @transform_7, window_bounds = array<i64: 1, 1>}]} {
    %get3A = arith.constant 0 : index
    %get3A_0 = arith.constant 0 : index
    %get3A_1 = vector.load %arg5[%get3A, %get3A_0] : memref<1280x896xf32, #tpu.memory_space<vmem>>, vector<1280x896xf32>
    %transpose3A = tpu.transpose %get3A_1, [1, 0] : vector<1280x896xf32> -> vector<896x1280xf32>
    %swap3A = arith.constant 0 : index
    %swap3A_2 = arith.constant 0 : index
    %swap3A_3 = vector.load %arg7[%swap3A, %swap3A_2] : memref<1000x1280xf32, #tpu.memory_space<vmem>>, vector<896x1280xf32>
    tpu.vector_store %arg7[%swap3A, %swap3A_2], %transpose3A {strides = array<i32>} : memref<1000x1280xf32, #tpu.memory_space<vmem>>, vector<896x1280xf32>,
    %get3A_4 = arith.constant 0 : index
    %get3A_5 = arith.constant 0 : index
    %get3A_6 = arith.constant 0 : index
    %get3A_7 = vector.load %arg1[%get3A_4, %get3A_5, %get3A_6] : memref<1x1x1280xi32, #tpu.memory_space<vmem>>, vector<1x1x1280xi32>
    %get3A_8 = vector.shape_cast %get3A_7 : vector<1x1x1280xi32> to vector<1280xi32>
    %iota3A = tpu.iota {dimensions = array<i32: 0>} : vector<1000x1280xi32>
    %broadcast_in_dim3A = vector.shape_cast %get3A_8 : vector<1280xi32> to vector<1x1280xi32>
    %eq3A = vector.broadcast %broadcast_in_dim3A : vector<1x1280xi32> to vector<1000x1280xi32>
    %eq3A_9 = arith.cmpi eq, %iota3A, %eq3A : vector<1000x1280xi32>
    %convert_element_type3A = arith.extui %eq3A_9 : vector<1000x1280xi1> to vector<1000x1280xi32>
    %convert_element_type3A_10 = arith.sitofp %convert_element_type3A : vector<1000x1280xi32> to vector<1000x1280xf32>
    %get3A_11 = arith.constant 0 : index
    %get3A_12 = arith.constant 0 : index
    %get3A_13 = vector.load %arg2[%get3A_11, %get3A_12] : memref<104x1000xf32, #tpu.memory_space<vmem>>, vector<104x1000xf32>
    %dot_general3A = arith.constant dense<0.000000e+00> : vector<104x1280xf32>
    %dot_general3A_14 = tpu.matmul %get3A_13, %convert_element_type3A_10, %dot_general3A {dimension_numbers = #tpu.dot_dimension_numbers<[1], [0], [0], [1], [0, 0, 1, 1], [], []>, transpose_lhs_hint = false} : vector<104x1000xf32>, vector<1000x1280xf32>, vector<104x1280xf32> -> vector<104x1280xf32>
    %swap3A_15 = arith.constant 896 : index
    %swap3A_16 = arith.constant 0 : index
    %swap3A_17 = vector.load %arg7[%swap3A_15, %swap3A_16] : memref<1000x1280xf32, #tpu.memory_space<vmem>>, vector<104x1280xf32>
    tpu.vector_store %arg7[%swap3A_15, %swap3A_16], %dot_general3A_14 {strides = array<i32>} : memref<1000x1280xf32, #tpu.memory_space<vmem>>, vector<104x1280xf32>,
    %eq3A_18 = arith.constant 0 : i32
    %eq3A_19 = arith.cmpi eq, %arg0, %eq3A_18 : i32
    %convert_element_type3A_20 = arith.extui %eq3A_19 : i1 to i32
    %cond3A = arith.constant 0 : i32
    %cond3A_21 = arith.cmpi ne, %convert_element_type3A_20, %cond3A : i32
    scf.if %cond3A_21 {
      %get3A_22 = arith.constant 0 : index
      %get3A_23 = arith.constant 0 : index
      %get3A_24 = vector.load %arg3[%get3A_22, %get3A_23] : memref<32x16xf32, #tpu.memory_space<vmem>>, vector<32x16xf32>
      %reduce_sum3A = vector.shape_cast %get3A_24 : vector<32x16xf32> to vector<1x32x16xf32>
      %reduce_sum3A_25 = arith.constant dense<0.000000e+00> : vector<1xf32>
      %reduce_sum3A_26 = vector.multi_reduction <add>, %reduce_sum3A, %reduce_sum3A_25 [1, 2] : vector<1x32x16xf32> to vector<1xf32>
      %reduce_sum3A_27 = vector.shape_cast %reduce_sum3A_26 : vector<1xf32> to vector<1x1x1xf32>
      %reduce_sum3A_28 = vector.extract %reduce_sum3A_27[0, 0, 0] : f32 from vector<1x1x1xf32>
      %get3A_29 = arith.constant 0 : index
      %get3A_30 = arith.constant 0 : index
      %get3A_31 = vector.load %arg4[%get3A_29, %get3A_30] : memref<32x16xf32, #tpu.memory_space<vmem>>, vector<32x16xf32>
      %reduce_sum3A_32 = vector.shape_cast %get3A_31 : vector<32x16xf32> to vector<1x32x16xf32>
      %reduce_sum3A_33 = arith.constant dense<0.000000e+00> : vector<1xf32>
      %reduce_sum3A_34 = vector.multi_reduction <add>, %reduce_sum3A_32, %reduce_sum3A_33 [1, 2] : vector<1x32x16xf32> to vector<1xf32>
      %reduce_sum3A_35 = vector.shape_cast %reduce_sum3A_34 : vector<1xf32> to vector<1x1x1xf32>
      %reduce_sum3A_36 = vector.extract %reduce_sum3A_35[0, 0, 0] : f32 from vector<1x1x1xf32>
      %add3A = arith.addf %reduce_sum3A_28, %reduce_sum3A_36 : f32
      %mul3A = arith.constant 1.95312496E-5 : f32
      %mul3A_37 = arith.mulf %add3A, %mul3A : f32
      %swap3A_38 = arith.constant 0 : index
      %swap3A_39 = arith.constant 0 : index
      %swap3A_40 = memref.load %arg8[%swap3A_38, %swap3A_39] : memref<1x1xf32, #tpu.memory_space<smem>>
      memref.store %mul3A_37, %arg8[%swap3A_38, %swap3A_39] : memref<1x1xf32, #tpu.memory_space<smem>>
    } else {
    }
    return
  }
  func.func @transform_0(%arg0: i32) -> (i32, i32, i32) {
    %c0_i32 = arith.constant 0 : i32
    %c0_i32_0 = arith.constant 0 : i32
    %c0_i32_1 = arith.constant 0 : i32
    return %arg0, %c0_i32, %c0_i32_0 : i32, i32, i32
  }
  func.func @transform_1(%arg0: i32) -> (i32, i32) {
    %c0_i32 = arith.constant 0 : i32
    %c0_i32_0 = arith.constant 0 : i32
    %c0_i32_1 = arith.constant 0 : i32
    return %c0_i32, %c0_i32_0 : i32, i32
  }
  func.func @transform_2(%arg0: i32) -> (i32, i32) {
    %c0_i32 = arith.constant 0 : i32
    %c0_i32_0 = arith.constant 0 : i32
    %c0_i32_1 = arith.constant 0 : i32
    return %c0_i32, %c0_i32_0 : i32, i32
  }
  func.func @transform_3(%arg0: i32) -> (i32, i32) {
    %c0_i32 = arith.constant 0 : i32
    %c0_i32_0 = arith.constant 0 : i32
    %c0_i32_1 = arith.constant 0 : i32
    return %c0_i32, %c0_i32_0 : i32, i32
  }
  func.func @transform_4(%arg0: i32) -> (i32, i32) {
    %c0_i32 = arith.constant 0 : i32
    %c0_i32_0 = arith.constant 0 : i32
    return %arg0, %c0_i32 : i32, i32
  }
  func.func @transform_6(%arg0: i32) -> (i32, i32) {
    %add3A = arith.constant 20 : i32
    %add3A_0 = arith.addi %arg0, %add3A : i32
    %c0_i32 = arith.constant 0 : i32
    %c0_i32_1 = arith.constant 0 : i32
    return %c0_i32, %add3A_0 : i32, i32
  }
  func.func @transform_7(%arg0: i32) -> (i32, i32) {
    %c0_i32 = arith.constant 0 : i32
    %c0_i32_0 = arith.constant 0 : i32
    %c0_i32_1 = arith.constant 0 : i32
    return %c0_i32, %c0_i32_0 : i32, i32
  }
}

</mosaic_0001>

<sc_bundles>
// kernel: kernel.10.cloned.1.call-start
scs
__scs_entry_jumppad:
0x0: {  	(pc) =	sbr.rel $0x88, $3  }
0x1: {  	(tag) =	ssettag $0x0;
	lr =	simm.s32 $0x1  }
0x2: {  	[smem:$0x3F9E] =	sst lr;
	_ =	strace $0xD0000000  }
0x3: {  	_ = 	snop  }
0x4: {  	_ = 	snop  }
0x5: {  	_ = 	snop  }
0x6: {  	_ = 	snop  }
0x7: {  	_ = 	snop  }
__scs_overlays_trampoline_lowered:
0x8: {  	[smem:$0x3FAD] =	sst s0  }
0x9: {  	[smem:$0x3FAE] =	sst s1  }
0xa: {  	[smem:$0x3FAF] =	sst s2  }
0xb: {  	[smem:$0x3FB0] =	sst s3  }
0xc: {  	[smem:$0x3FB1] =	sst s4  }
0xd: {  	[smem:$0x3FB2] =	sst s5  }
0xe: {  	[smem:$0x3FB3] =	sst s6  }
0xf: {  	[smem:$0x3FB4] =	sst s7  }
0x10: {  	[smem:$0x3FB5] =	sst s8  }
0x11: {  	[smem:$0x3FB6] =	sst s9;
	s0 =	simm.s32 @!p0 $0x0  }
0x12: {  	s1 =	sld [smem:$0x3F9C];
	s0 =	simm.s32 @p0 $0x1  }
0x13: {  	[smem:$0x3FB7] =	sst s0;
	s0 =	simm.s32 @!p1 $0x0  }
0x14: {  	s2 =	sld [smem:$0x3F9B];
	s0 =	simm.s32 @p1 $0x1  }
0x15: {  	[smem:$0x3FB8] =	sst s0;
	s0 =	simm.s32 @!p2 $0x0  }
0x16: {  	s3 =	sld [smem:$0x3FDB];
	s0 =	simm.s32 @p2 $0x1  }
0x17: {  	s4 =	simm.s32 $0x1BF5;
	[smem:$0x3FBA] =	sst s0  }
0x18: {  	s0 =	sld [smem:$0x3F9D];
	_ =	swait.ge [sflag:s4], $0x0  }
0x19: {  	s7 =	sld [smem:$0x3F9E]  }
0x1a: {  	s8 =	sadd.s32 $0xFFFFE003, lr  }
0x1b: {  	s9 =	sadd.s32 $0xFFFFFEF7, lr;
	s5 =	simm.s32 $0xFFFFFFFF;
	p2 =	slt.u32 s8, $0xFFFFF086  }
0x1c: {  	p1 =	slt.u32 s9, $0xF7A;
	s5 =	simm.s32 @!p2 $0x0  }
0x1d: {  	s5 =	simm.s32 @p1 $0x1;
	p0 =	seq.s32 s7, s2  }
0x1e: {  	s7 =	smul.u32 @!p0 $0xF7A, s2;
	p2 =	seq.s32 @!p0 s5, $0x0  }
0x1f: {  	s9 =	smul.u32 $0xF7A, s1;
	s8 =	simm.s32 @!p0 $0x1BF5;
	p2 =	por !p2, p0  }
0x20: {  	[sflag:s8] =	ssyncset.s32 @!p0 $0xFFFFF086;
	s6 =	sadd.s32 @!p0 s3, s7;
	s7 =	simm.s32 @!p0 $0x108  }
0x21: {  	s3 =	sadd.s32 s3, s9;
	s6 =	sadd.s32 @!p0 $0x88, s6;
	s7 =	simm.s32 @p2 $0x1082  }
0x22: {  	[simem:s7], [sflag:s8] =	dma.local @!p0 [hbm:s6], $0xF7A  }
0x23: {  	s9 =	sor.u32 $0xD0000000, s2;
	s6 =	simm.s32 $0x108;
	_ =	swait.ge @!p0 [sflag:s8], $0x0  }
0x24: {  	s3 =	sadd.s32 $0x88, s3;
	s6 =	simm.s32 @!p1 $0x1082;
	[sflag:s4] =	ssyncset.s32 $0xFFFFF086  }
0x25: {  	[simem:s6], [sflag:s4] =	dma.local [hbm:s3], $0xF7A  }
0x26: {  	[smem:$0x3F9E] =	sst s1;
	(tag) =	ssettag s2;
	_ =	strace s9  }
0x27: {  	s1 =	sld [smem:$0x3FAE]  }
0x28: {  	s2 =	sld [smem:$0x3FAF]  }
0x29: {  	s4 =	sld [smem:$0x3FB1]  }
0x2a: {  	p0 =	seq.s32 s5, $0x0;
	s5 =	sld [smem:$0x3FB2]  }
0x2b: {  	s6 =	sld [smem:$0x3FB3]  }
0x2c: {  	s7 =	sld [smem:$0x3FB4]  }
0x2d: {  	s3 =	simm.s32 $0x108;
	s8 =	sld [smem:$0x3FB5]  }
0x2e: {  	s3 =	simm.s32 @!p0 $0x1082;
	s9 =	sld [smem:$0x3FB6]  }
0x2f: {  	lr =	sadd.s32 s0, s3;
	s0 =	sld [smem:$0x3FAD]  }
0x30: {  	s3 =	sld [smem:$0x3FB0]  }
0x31: {  	[smem:$0x3FB9] =	sst s10  }
0x32: {  	s10 =	sld [smem:$0x3FB7];
	_ =	sdelay $0x3  }
0x33: {  	p0 =	seq.s32 s10, $0x1;
	s10 =	sld [smem:$0x3FB9];
	_ =	sdelay $0x3  }
0x34: {  	[smem:$0x3FB9] =	sst s10  }
0x35: {  	s10 =	sld [smem:$0x3FB8];
	_ =	sdelay $0x3  }
0x36: {  	p1 =	seq.s32 s10, $0x1;
	s10 =	sld [smem:$0x3FB9];
	_ =	sdelay $0x3  }
0x37: {  	[smem:$0x3FB9] =	sst s10  }
0x38: {  	s10 =	sld [smem:$0x3FBA]  }
0x39: {  	_ = 	snop;
	(pc) =	sbr.ind lr, $3  }
0x3a: {  	_ = 	snop  }
0x3b: {  	_ = 	snop  }
0x3c: {  	p2 =	seq.s32 s10, $0x1;
	s10 =	sld [smem:$0x3FB9]  }
0x3d: {  	_ =	shalt  }
0x3e: {  	_ =	shalt  }
0x3f: {  	_ =	shalt  }
0x40: {  	_ =	shalt  }
0x41: {  	_ =	shalt  }
0x42: {  	_ =	shalt  }
0x43: {  	_ =	shalt  }
0x44: {  	_ =	shalt  }
0x45: {  	_ =	shalt  }
0x46: {  	_ =	shalt  }
0x47: {  	_ =	shalt  }
0x48: {  	_ =	shalt  }
0x49: {  	_ =	shalt  }
0x4a: {  	_ =	shalt  }
0x4b: {  	_ =	shalt  }
0x4c: {  	_ =	shalt  }
0x4d: {  	_ =	shalt  }
0x4e: {  	_ =	shalt  }
0x4f: {  	_ =	shalt  }
0x50: {  	_ =	shalt  }
0x51: {  	_ =	shalt  }
0x52: {  	_ =	shalt  }
0x53: {  	_ =	shalt  }
0x54: {  	_ =	shalt  }
0x55: {  	_ =	shalt  }
0x56: {  	_ =	shalt  }
0x57: {  	_ =	shalt  }
0x58: {  	_ =	shalt  }
0x59: {  	_ =	shalt  }
0x5a: {  	_ =	shalt  }
0x5b: {  	_ =	shalt  }
0x5c: {  	_ =	shalt  }
0x5d: {  	_ =	shalt  }
0x5e: {  	_ =	shalt  }
0x5f: {  	_ =	shalt  }
0x60: {  	_ =	shalt  }
0x61: {  	_ =	shalt  }
0x62: {  	_ =	shalt  }
0x63: {  	_ =	shalt  }
0x64: {  	_ =	shalt  }
0x65: {  	_ =	shalt  }
0x66: {  	_ =	shalt  }
0x67: {  	_ =	shalt  }
0x68: {  	_ =	shalt  }
0x69: {  	_ =	shalt  }
0x6a: {  	_ =	shalt  }
0x6b: {  	_ =	shalt  }
0x6c: {  	_ =	shalt  }
0x6d: {  	_ =	shalt  }
0x6e: {  	_ =	shalt  }
0x6f: {  	_ =	shalt  }
0x70: {  	_ =	shalt  }
0x71: {  	_ =	shalt  }
0x72: {  	_ =	shalt  }
0x73: {  	_ =	shalt  }
0x74: {  	_ =	shalt  }
0x75: {  	_ =	shalt  }
0x76: {  	_ =	shalt  }
0x77: {  	_ =	shalt  }
0x78: {  	_ =	shalt  }
0x79: {  	_ =	shalt  }
0x7a: {  	_ =	shalt  }
0x7b: {  	_ =	shalt  }
0x7c: {  	_ =	shalt  }
0x7d: {  	_ =	shalt  }
0x7e: {  	_ =	shalt  }
0x7f: {  	_ =	shalt  }
0x80: {  	_ =	shalt  }
0x81: {  	_ =	shalt  }
0x82: {  	_ =	shalt  }
0x83: {  	_ =	shalt  }
0x84: {  	_ =	shalt  }
0x85: {  	_ =	shalt  }
0x86: {  	_ =	shalt  }
0x87: {  	_ =	shalt  }
.Lfunc_end0:
.L_simem_size_0:
called_computation.1_lowered:
.L_overlay_start_0:
0x88: {  	s2 =	sld [smem:$0x3FD9]  }
0x89: {  	s3 =	sld [smem:$0x3FFE];
	_ =	sdelay $0x1  }
0x8a: {  	s1 =	srdreg.scid  }
0x8b: {  	s0 =	sand.u32 $0x1, s1  }
0x8c: {  	s17 =	sshll.u32 s0, $0xA;
	s2 =	sadd.s32 s3, s2  }
0x8d: {  	s2 =	sadd.s32 s2, s17  }
0x8e: {  	[smem:$0x3FC5] =	sst s2  }
0x8f: {  	_ = 	snop  }
0x90: {  	(tm) =	ssettm $0x1  }
0x91: {  	s18 =	sld [smem:$0x3FFB];
	_ =	sdelay $0x3  }
0x92: {  	_ =	strace s18  }
0x93: {  	s2 =	sld [smem:$0x3FFC];
	_ =	sdelay $0x3  }
0x94: {  	_ =	strace s2  }
0x95: {  	s2 =	sld [smem:$0x3FFD];
	_ =	sdelay $0x3  }
0x96: {  	_ =	strace s2  }
0x97: {  	_ =	strace $0x8FFFFFFF  }
0x98: {  	s19 =	sld [smem:$0x3FDB];
	_ =	sdelay $0x1  }
0x99: {  	s20 =	simm.s32 $_scs_section_size  }
0x9a: {  	s4 =	simm.s32 $_size__tile_overlayer_lowered;
	s5 =	simm.s32 $_tile_overlayer_lowered  }
0x9b: {  	s6 =	simm.s32 $0x1BFF;
	s21 =	sshll.u32 s5, $0x1;
	s3 =	sadd.s32 s20, s19  }
0x9c: {  	s22 =	simm.s32 $0x0;
	s4 =	sshll.u32 s4, $0x1;
	s5 =	sadd.s32 s21, s3  }
0x9d: {  	[timem:s22], [sflag:s6] =	dma.local [hbm:s5], s4  }
0x9e: {  	_ =	swait.ge [sflag:s6], s4  }
0x9f: {  	s4 =	ssub.s32 $0x0, s4;
	[sflag:s6] =	ssyncset.done $0x0  }
0xa0: {  	[sflag:s6] =	ssyncadd.s32 s4;
	_ =	sdelay $0x1  }
0xa1: {  	s23 =	simm.s32 $0x1B8B  }
0xa2: {  	_ =	swait.ge [sflag:s23], $0x1  }
0xa3: {  	[sflag:s23] =	ssyncset.done $0x0  }
0xa4: {  	[sflag:s23] =	ssyncadd.s32 $0xFFFFFFFF  }
0xa5: {  	s4 =	sld [smem:$0x0]  }
0xa6: {  	s5 =	sand.u32 $0xFFFFFFFE, s1  }
0xa7: {  	p0 =	sne.s32 s1, s5  }
0xa8: {  	s5 =	sshll.u32 @p0 s5, $0xE  }
0xa9: {  	s5 =	sadd.s32 @p0 $0x11B8D, s5;
	s6 =	sshll.u32 @p0 s4, $0x11  }
0xaa: {  	s5 =	sor.u32 @p0 s6, s5  }
0xab: {  	[sflag:s5] =	ssyncadd.remote.s32 @p0 $0x1;
	_ =	sdelay $0x1  }
0xac: {  	s5 =	simm.s32 @p0 $0x1B8D  }
0xad: {  	_ =	swait.eq @p0 [sflag:s5], $0x1  }
0xae: {  	[sflag:s5] =	ssyncadd.s32 @p0 $0xFFFFFFFF  }
0xaf: {  	s6 =	sshll.u32 @!p0 s1, $0xE  }
0xb0: {  	s6 =	sor.u32 @!p0 $0x4000, s6;
	s5 =	simm.s32 @!p0 $0x1B8D  }
0xb1: {  	s4 =	sshll.u32 @!p0 s4, $0x11;
	s6 =	sadd.s32 @!p0 $0x11B8D, s6;
	_ =	swait.eq @!p0 [sflag:s5], $0x1  }
0xb2: {  	s4 =	sor.u32 @!p0 s4, s6;
	[sflag:s5] =	ssyncadd.s32 @!p0 $0xFFFFFFFF  }
0xb3: {  	s25 =	simm.s32 $0x1B8E;
	s24 =	sld [smem:$0x3FFE];
	[sflag:s4] =	ssyncadd.remote.s32 @!p0 $0x1  }
0xb4: {  	s26 =	simm.s32 $execute0_lowered;
	[smem:$0x3FD2] =	sst s25  }
0xb5: {  	s5 =	sshll.u32 s26, $0x1;
	_ =	strace $0x80000049;
	[dreg:$0x1] =	wrdreg $0xFFFFFFFF  }
0xb6: {  	s28 =	simm.s32 $_size_execute0_lowered;
	s3 =	sadd.s32 s3, s5;
	[dreg:$0x0] =	wrdreg $0x0  }
0xb7: {  	s5 =	sshll.u32 s28, $0x1;
	[dreg:$0x2] =	wrdreg s3  }
0xb8: {  	[dreg:$0x3] =	wrdreg s5  }
0xb9: {  	[dreg:$0x4] =	wrdreg $0xC0  }
0xba: {  	_ =	task [dreg:s22], $0x5FFFF  }
0xbb: {  	[dreg:$0x1] =	wrdreg $0xFFFFFFFF  }
0xbc: {  	[dreg:$0x0] =	wrdreg $0x60  }
0xbd: {  	[dreg:$0x2] =	wrdreg s24  }
0xbe: {  	[dreg:$0x3] =	wrdreg $0xA  }
0xbf: {  	_ =	task.clear_ibuf [dreg:s22], $0x4FFFF;
	_ =	strace $0x90000049  }
0xc0: {  	s29 =	simm.s32 $0xA;
	_ =	strace $0x8000004B  }
0xc1: {  	_ =	swait.ge [sflag:s29], $0x1  }
0xc2: {  	[sflag:s29] =	ssyncadd.s32 $0xFFFFFFFF  }
0xc3: {  	_ =	strace $0x9000004B  }
0xc4: {  	_ =	sfence  }
0xc5: {  	s30 =	sld [smem:$0x0];
	_ =	sdelay $0x2  }
0xc6: {  	s31 =	sshll.u32 s1, $0xD;
	s1 =	sshrl.u32 s1, $0x2  }
0xc7: {  	s4 =	sand.u32 $0x4000, s31;
	s1 =	sadd.s32 s1, s30  }
0xc8: {  	s0 =	sor.u32 s4, s0;
	s1 =	sshll.u32 s1, $0x11  }
0xc9: {  	s0 =	sor.u32 s1, s0  }
0xca: {  	s0 =	sadd.s32 $0x8F2B, s0  }
0xcb: {  	[sflag:s0] =	ssyncadd.remote.s32 $0x1  }
0xcc: {  	_ =	sfence.sel $0xFFFF  }
0xcd: {  	[dreg:$0x0] =	wrdreg $0xFFFFFFFF;
	(pc) =	sbr.abs _section_cstart, $3  }
0xce: {  	[dreg:$0x1] =	wrdreg $0xFFFFFFFF  }
0xcf: {  	_ =	task.clear_ibuf [dreg:s22], $0x2FFFF;
	_ =	strace $0x9FFFFFFF  }
0xd0: {  	(tm) =	ssettm $0x7FFFFFFF  }
0xd1: {  	_ =	shalt  }
tec
execute0_lowered:
.L_overlay_start_1:
0x0: {  	(tag) =	ssettag $0x1  }
0x1: {  	s0 =	srdreg.scid  }
0x2: {  	s6 =	stileid.u32;
	s1 =	rddreg [dreg:$0x0];
	s2 =	simm.s32 $0x0  }
0x3: {  	s17 =	simm.s32 $0x1180;
	s19 =	simm.s32 $0xC180;
	s20 =	simm.s32 $0xC980  }
0x4: {  	s21 =	simm.s32 $0xD180;
	s28 =	simm.s32 $0xF980;
	s29 =	simm.s32 $0x10180  }
0x5: {  	s30 =	simm.s32 $0x10980;
	s31 =	simm.s32 $0x10D80;
	s16 =	simm.s32 $0x12580  }
0x6: {  	s15 =	simm.s32 $0x0;
	s0 =	sand.u32 $0x1, s0;
	s3 =	sshll.u32 s6, $0x1  }
0x7: {  	[smem:$0x7FF] =	sst s2;
	s6 =	smul.u32 $0x640, s6;
	s7 =	sadd.s32 $0x1CA00, s1  }
0x8: {  	s8 =	sadd.s32 $0x3C200, s1;
	s11 =	sadd.s32 $0x2FA400, s1;
	s9 =	sadd.s32 $0x1600, s1  }
0x9: {  	s10 =	sadd.s32 $0x1700, s1;
	s4 =	sor.u32 s0, s3;
	_ =	strace $0x8000004A  }
0xa: {  	s3 =	sadd.s32 $0x1400, s1;
	[dreg:$0x2] =	wrdreg s7;
	s22 =	smul.u32 $0x320, s0  }
0xb: {  	[dreg:$0x3] =	wrdreg s8;
	s0 =	ssub.s32 $0x2, s0;
	s8 =	sadd.s32 $0x1500, s1  }
0xc: {  	s5 =	smul.u32 $0x320, s4;
	s4 =	sshll.u32 s4, $0x4;
	s23 =	sshrl.u32 s0, $0x1  }
0xd: {  	s6 =	sadd.s32 s22, s6;
	s4 =	sadd.s32 s4, s1;
	s0 =	ssub.s32 s0, s23  }
0xe: {  	s22 =	simm.s32 $0xD580;
	s23 =	simm.s32 $0xDD80;
	s5 =	sshrl.u32 s5, $0x3  }
0xf: {  	s7 =	sadd.s32 $0x28, s6;
	s6 =	sshrl.u32 s6, $0x3;
	s4 =	sadd.s32 $0x2FA200, s4  }
0x10: {  	s0 =	smax.u32 s0, $0x1;
	s5 =	sadd.s32 s5, s1;
	[dreg:$0x6] =	wrdreg s4  }
0x11: {  	s25 =	sshrl.u32 s7, $0x3;
	s26 =	smul.u32 $0x380, s6;
	[dreg:$0x7] =	wrdreg s0  }
0x12: {  	s7 =	simm.s32 $0x9D80;
	s1 =	simm.s32 $0x11580;
	s0 =	simm.s32 $0x11D80  }
.Ltmp0:
0x13: {  	s4 =	simm.s32 $0x2;
	s24 =	sadd.s32 $0x2F8600, s5;
	(pc) =	sbr.rel .LBB2_1-.Ltmp0, $4  }
0x14: {  	s6 =	simm.s32 $0x4;
	s5 =	sadd.s32 $0x2F9400, s5;
	[dreg:$0x4] =	wrdreg s24  }
0x15: {  	v2 =	vlaneseq.u32;
	[dreg:$0x5] =	wrdreg s5;
	s5 =	smul.u32 $0x380, s25;
	s14 =	sadd.s32 s26, s11  }
0x16: {  	vm0 =	vmmov $0xffff;
	vm1 =	vmmov $0xff;
	v1 =	vshrl.u32 v2, $0x3;
	s24 =	simm.s32 $0xE580;
	s25 =	simm.s32 $0xED80;
	s26 =	simm.s32 $0xF180  }
0x17: {  	v0 =	vand.u32 $0x7, v2;
	v2 =	vor.u32 $0x8, v2;
	v1 =	vmul.u32 $0x8, v1;
	s13 =	sadd.s32 s5, s11;
	s5 =	simm.s32 $0x3;
	s11 =	simm.s32 $0x5  }
.LBB2_8:
0x18: {  	_ =	swait.ge [sflag:s11], $0x8C00  }
0x19: {  	s15 =	rddreg [dreg:$0x8]  }
0x1a: {  	s12 =	rddreg [dreg:$0x7];
	s15 =	sadd.s32 $0x1, s15  }
0x1b: {  	p0 =	sne.s32 s15, s12  }
.Ltmp1:
0x1c: {  	_ = 	snop;
	(pc) =	sbr.rel @!p0 .LBB2_9-.Ltmp1, $3  }
0x1d: {  	_ =	sdelay $0x1  }
0x1e: {  	[sflag:s11] =	ssyncset.done $0x0  }
0x1f: {  	[sflag:s11] =	ssyncadd.s32 $0xFFFF7400  }
.LBB2_1:
0x20: {  	[dreg:$0x8] =	wrdreg s15  }
0x21: {  	s12 =	rddreg [dreg:$0x4];
	s15 =	simm.s32 $0x6  }
0x22: {  	[tilespmem:s2], [sflag:$0x6] =	stream.linear.gather [hbm4b:s12+s2], $0x320, $0x38;
	[tilespmem:$0x12A00] =	vst v63  }
0x23: {  	_ =	swait.ge [sflag:s15], $0x320  }
0x24: {  	[sflag:s15] =	ssyncset.done $0x0  }
0x25: {  	s18 =	simm.s32 $0x380;
	s12 =	rddreg [dreg:$0x5];
	[sflag:s15] =	ssyncadd.s32 $0xFFFFFCE0  }
0x26: {  	[tilespmem:s18], [sflag:$0x6] =	stream.linear.gather [hbm4b:s12+s2], $0x320, $0x38;
	[tilespmem:$0x12A00] =	vst v63  }
0x27: {  	_ =	swait.ge [sflag:s15], $0x320  }
0x28: {  	[sflag:s15] =	ssyncset.done $0x0  }
0x29: {  	[sflag:s15] =	ssyncadd.s32 $0xFFFFFCE0  }
0x2a: {  	v3 =	vld [tilespmem:$0x0];
	_ =	sdelay $0x4  }
0x2b: {  	v4 =	vshrl.u32 v3, $0x3  }
0x2c: {  	v4 =	vmul.u32 $0x38, v4  }
0x2d: {  	v3 =	vand.u32 $0x7, v3  }
0x2e: {  	v3 =	vor.u32 v3, v4  }
0x2f: {  	v4 =	vperm.xlane v3, v0;
	_ =	sdelay $0x1  }
0x30: {  	v4 =	vadd.s32 v1, v4;
	_ =	sdelay $0x4  }
0x31: {  	[tilespmem:s17], [sflag:$0x2] =	stream.indirect_vreg.gather [hbm4b:s3+s2], $0x80, v4, vm0, $0xb8;
	[tilespmem:$0x12A00] =	vst v63  }
0x32: {  	s18 =	simm.s32 $0x1980;
	v3 =	vperm.xlane v3, v2  }
0x33: {  	[tilespmem:s18], [sflag:$0x2] =	stream.indirect_vreg.gather [hbm4b:s8+s2], $0x80, v4, vm0, $0xb8;
	[tilespmem:$0x12A00] =	vst v63  }
0x34: {  	s15 =	simm.s32 $0x2180;
	v3 =	vadd.s32 v1, v3  }
0x35: {  	[tilespmem:s15], [sflag:$0x2] =	stream.indirect_vreg.gather [hbm4b:s9+s2], $0x80, v4, vm0, $0xb8;
	[tilespmem:$0x12A00] =	vst v63  }
0x36: {  	s18 =	simm.s32 $0x2980  }
0x37: {  	[tilespmem:s18], [sflag:$0x2] =	stream.indirect_vreg.gather [hbm4b:s10+s2], $0x80, v4, vm1, $0xb8;
	[tilespmem:$0x12A00] =	vst v63  }
0x38: {  	s15 =	simm.s32 $0x2D80  }
0x39: {  	[tilespmem:s15], [sflag:$0x2] =	stream.indirect_vreg.gather [hbm4b:s3+s2], $0x80, v3, vm0, $0xb8;
	[tilespmem:$0x12A00] =	vst v63  }
0x3a: {  	s18 =	simm.s32 $0x3580  }
0x3b: {  	[tilespmem:s18], [sflag:$0x2] =	stream.indirect_vreg.gather [hbm4b:s8+s2], $0x80, v3, vm0, $0xb8;
	[tilespmem:$0x12A00] =	vst v63  }
0x3c: {  	s15 =	simm.s32 $0x3D80  }
0x3d: {  	[tilespmem:s15], [sflag:$0x2] =	stream.indirect_vreg.gather [hbm4b:s9+s2], $0x80, v3, vm0, $0xb8;
	[tilespmem:$0x12A00] =	vst v63  }
0x3e: {  	s18 =	simm.s32 $0x4580  }
0x3f: {  	[tilespmem:s18], [sflag:$0x2] =	stream.indirect_vreg.gather [hbm4b:s10+s2], $0x80, v3, vm1, $0xb8;
	[tilespmem:$0x12A00] =	vst v63  }
0x40: {  	v3 =	vld [tilespmem:$0x10];
	_ =	sdelay $0x4  }
0x41: {  	v4 =	vshrl.u32 v3, $0x3  }
0x42: {  	v4 =	vmul.u32 $0x38, v4  }
0x43: {  	v3 =	vand.u32 $0x7, v3  }
0x44: {  	v3 =	vor.u32 v3, v4  }
0x45: {  	v4 =	vperm.xlane v3, v0;
	_ =	sdelay $0x1  }
0x46: {  	v4 =	vadd.s32 v1, v4;
	_ =	sdelay $0x3  }
0x47: {  	s15 =	simm.s32 $0x4980  }
0x48: {  	[tilespmem:s15], [sflag:$0x2] =	stream.indirect_vreg.gather [hbm4b:s3+s2], $0x80, v4, vm0, $0xb8;
	[tilespmem:$0x12A00] =	vst v63  }
0x49: {  	s18 =	simm.s32 $0x5180;
	v3 =	vperm.xlane v3, v2  }
0x4a: {  	[tilespmem:s18], [sflag:$0x2] =	stream.indirect_vreg.gather [hbm4b:s8+s2], $0x80, v4, vm0, $0xb8;
	[tilespmem:$0x12A00] =	vst v63  }
0x4b: {  	v3 =	vadd.s32 v1, v3;
	s15 =	simm.s32 $0x5980  }
0x4c: {  	[tilespmem:s15], [sflag:$0x2] =	stream.indirect_vreg.gather [hbm4b:s9+s2], $0x80, v4, vm0, $0xb8;
	[tilespmem:$0x12A00] =	vst v63  }
0x4d: {  	s18 =	simm.s32 $0x6180  }
0x4e: {  	[tilespmem:s18], [sflag:$0x2] =	stream.indirect_vreg.gather [hbm4b:s10+s2], $0x80, v4, vm1, $0xb8;
	[tilespmem:$0x12A00] =	vst v63  }
0x4f: {  	s15 =	simm.s32 $0x6580  }
0x50: {  	[tilespmem:s15], [sflag:$0x2] =	stream.indirect_vreg.gather [hbm4b:s3+s2], $0x80, v3, vm0, $0xb8;
	[tilespmem:$0x12A00] =	vst v63  }
0x51: {  	s18 =	simm.s32 $0x6D80  }
0x52: {  	[tilespmem:s18], [sflag:$0x2] =	stream.indirect_vreg.gather [hbm4b:s8+s2], $0x80, v3, vm0, $0xb8;
	[tilespmem:$0x12A00] =	vst v63  }
0x53: {  	s15 =	simm.s32 $0x7580  }
0x54: {  	[tilespmem:s15], [sflag:$0x2] =	stream.indirect_vreg.gather [hbm4b:s9+s2], $0x80, v3, vm0, $0xb8;
	[tilespmem:$0x12A00] =	vst v63  }
0x55: {  	s18 =	simm.s32 $0x7D80  }
0x56: {  	[tilespmem:s18], [sflag:$0x2] =	stream.indirect_vreg.gather [hbm4b:s10+s2], $0x80, v3, vm1, $0xb8;
	[tilespmem:$0x12A00] =	vst v63  }
0x57: {  	v3 =	vld.msk [tilespmem:$0x20], $0xff;
	_ =	sdelay $0x4  }
0x58: {  	v4 =	vshrl.u32 v3, $0x3  }
0x59: {  	v4 =	vmul.u32 $0x38, v4  }
0x5a: {  	v3 =	vand.u32 $0x7, v3  }
0x5b: {  	v3 =	vor.u32 v3, v4  }
0x5c: {  	v3 =	vperm.xlane v3, v0;
	_ =	sdelay $0x1  }
0x5d: {  	v3 =	vadd.s32 v1, v3;
	_ =	sdelay $0x3  }
0x5e: {  	s15 =	simm.s32 $0x8180  }
0x5f: {  	[tilespmem:s15], [sflag:$0x2] =	stream.indirect_vreg.gather [hbm4b:s3+s2], $0x80, v3, vm0, $0xb8;
	[tilespmem:$0x12A00] =	vst v63  }
0x60: {  	s18 =	simm.s32 $0x8980  }
0x61: {  	[tilespmem:s18], [sflag:$0x2] =	stream.indirect_vreg.gather [hbm4b:s8+s2], $0x80, v3, vm0, $0xb8;
	[tilespmem:$0x12A00] =	vst v63  }
0x62: {  	s15 =	simm.s32 $0x9180  }
0x63: {  	[tilespmem:s15], [sflag:$0x2] =	stream.indirect_vreg.gather [hbm4b:s9+s2], $0x80, v3, vm0, $0xb8;
	[tilespmem:$0x12A00] =	vst v63  }
0x64: {  	s18 =	simm.s32 $0x9980  }
0x65: {  	[tilespmem:s18], [sflag:$0x2] =	stream.indirect_vreg.gather [hbm4b:s10+s2], $0x80, v3, vm1, $0xb8;
	[tilespmem:$0x12A00] =	vst v63  }
0x66: {  	v3 =	vld [tilespmem:$0x28];
	_ =	sdelay $0x4  }
0x67: {  	v4 =	vshrl.u32 v3, $0x3  }
0x68: {  	v4 =	vmul.u32 $0x38, v4  }
0x69: {  	v3 =	vand.u32 $0x7, v3  }
0x6a: {  	v3 =	vor.u32 v3, v4  }
0x6b: {  	v4 =	vperm.xlane v3, v0;
	_ =	sdelay $0x1  }
0x6c: {  	v4 =	vadd.s32 v1, v4;
	_ =	sdelay $0x4  }
0x6d: {  	[tilespmem:s7], [sflag:$0x3] =	stream.indirect_vreg.gather [hbm4b:s3+s2], $0x80, v4, vm0, $0xb8;
	[tilespmem:$0x12A00] =	vst v63  }
0x6e: {  	s15 =	simm.s32 $0xA580;
	v3 =	vperm.xlane v3, v2  }
0x6f: {  	[tilespmem:s15], [sflag:$0x3] =	stream.indirect_vreg.gather [hbm4b:s8+s2], $0x80, v4, vm0, $0xb8;
	[tilespmem:$0x12A00] =	vst v63  }
0x70: {  	s18 =	simm.s32 $0xAD80;
	v3 =	vadd.s32 v1, v3  }
0x71: {  	[tilespmem:s18], [sflag:$0x3] =	stream.indirect_vreg.gather [hbm4b:s9+s2], $0x80, v4, vm0, $0xb8;
	[tilespmem:$0x12A00] =	vst v63  }
0x72: {  	s15 =	simm.s32 $0xB580  }
0x73: {  	[tilespmem:s15], [sflag:$0x3] =	stream.indirect_vreg.gather [hbm4b:s10+s2], $0x80, v4, vm1, $0xb8;
	[tilespmem:$0x12A00] =	vst v63  }
0x74: {  	s18 =	simm.s32 $0xB980  }
0x75: {  	[tilespmem:s18], [sflag:$0x3] =	stream.indirect_vreg.gather [hbm4b:s3+s2], $0x80, v3, vm0, $0xb8;
	[tilespmem:$0x12A00] =	vst v63  }
0x76: {  	_ = 	snop  }
0x77: {  	[tilespmem:s19], [sflag:$0x3] =	stream.indirect_vreg.gather [hbm4b:s8+s2], $0x80, v3, vm0, $0xb8;
	[tilespmem:$0x12A00] =	vst v63  }
0x78: {  	_ = 	snop  }
0x79: {  	[tilespmem:s20], [sflag:$0x3] =	stream.indirect_vreg.gather [hbm4b:s9+s2], $0x80, v3, vm0, $0xb8;
	[tilespmem:$0x12A00] =	vst v63  }
0x7a: {  	_ = 	snop  }
0x7b: {  	[tilespmem:s21], [sflag:$0x3] =	stream.indirect_vreg.gather [hbm4b:s10+s2], $0x80, v3, vm1, $0xb8;
	[tilespmem:$0x12A00] =	vst v63  }
0x7c: {  	v3 =	vld [tilespmem:$0x38];
	_ =	sdelay $0x4  }
0x7d: {  	v4 =	vshrl.u32 v3, $0x3  }
0x7e: {  	v4 =	vmul.u32 $0x38, v4  }
0x7f: {  	v3 =	vand.u32 $0x7, v3  }
0x80: {  	v3 =	vor.u32 v3, v4  }
0x81: {  	v4 =	vperm.xlane v3, v0;
	_ =	sdelay $0x1  }
0x82: {  	v4 =	vadd.s32 v1, v4;
	_ =	sdelay $0x4  }
0x83: {  	[tilespmem:s22], [sflag:$0x3] =	stream.indirect_vreg.gather [hbm4b:s3+s2], $0x80, v4, vm0, $0xb8;
	[tilespmem:$0x12A00] =	vst v63  }
0x84: {  	v3 =	vperm.xlane v3, v2  }
0x85: {  	[tilespmem:s23], [sflag:$0x3] =	stream.indirect_vreg.gather [hbm4b:s8+s2], $0x80, v4, vm0, $0xb8;
	[tilespmem:$0x12A00] =	vst v63  }
0x86: {  	v3 =	vadd.s32 v1, v3  }
0x87: {  	[tilespmem:s24], [sflag:$0x3] =	stream.indirect_vreg.gather [hbm4b:s9+s2], $0x80, v4, vm0, $0xb8;
	[tilespmem:$0x12A00] =	vst v63  }
0x88: {  	_ = 	snop  }
0x89: {  	[tilespmem:s25], [sflag:$0x3] =	stream.indirect_vreg.gather [hbm4b:s10+s2], $0x80, v4, vm1, $0xb8;
	[tilespmem:$0x12A00] =	vst v63  }
0x8a: {  	_ = 	snop  }
0x8b: {  	[tilespmem:s26], [sflag:$0x3] =	stream.indirect_vreg.gather [hbm4b:s3+s2], $0x80, v3, vm0, $0xb8;
	[tilespmem:$0x12A00] =	vst v63  }
0x8c: {  	_ = 	snop  }
0x8d: {  	[tilespmem:s28], [sflag:$0x3] =	stream.indirect_vreg.gather [hbm4b:s8+s2], $0x80, v3, vm0, $0xb8;
	[tilespmem:$0x12A00] =	vst v63  }
0x8e: {  	_ = 	snop  }
0x8f: {  	[tilespmem:s29], [sflag:$0x3] =	stream.indirect_vreg.gather [hbm4b:s9+s2], $0x80, v3, vm0, $0xb8;
	[tilespmem:$0x12A00] =	vst v63  }
0x90: {  	_ = 	snop  }
0x91: {  	[tilespmem:s30], [sflag:$0x3] =	stream.indirect_vreg.gather [hbm4b:s10+s2], $0x80, v3, vm1, $0xb8;
	[tilespmem:$0x12A00] =	vst v63  }
0x92: {  	v3 =	vld.msk [tilespmem:$0x48], $0xff;
	_ =	sdelay $0x4  }
0x93: {  	v4 =	vshrl.u32 v3, $0x3  }
0x94: {  	v4 =	vmul.u32 $0x38, v4  }
0x95: {  	v3 =	vand.u32 $0x7, v3  }
0x96: {  	v3 =	vor.u32 v3, v4  }
0x97: {  	v3 =	vperm.xlane v3, v0;
	_ =	sdelay $0x1  }
0x98: {  	v3 =	vadd.s32 v1, v3;
	_ =	sdelay $0x4  }
0x99: {  	[tilespmem:s31], [sflag:$0x3] =	stream.indirect_vreg.gather [hbm4b:s3+s2], $0x80, v3, vm0, $0xb8;
	[tilespmem:$0x12A00] =	vst v63  }
0x9a: {  	_ = 	snop  }
0x9b: {  	[tilespmem:s1], [sflag:$0x3] =	stream.indirect_vreg.gather [hbm4b:s8+s2], $0x80, v3, vm0, $0xb8;
	[tilespmem:$0x12A00] =	vst v63  }
0x9c: {  	_ = 	snop  }
0x9d: {  	[tilespmem:s0], [sflag:$0x3] =	stream.indirect_vreg.gather [hbm4b:s9+s2], $0x80, v3, vm0, $0xb8;
	[tilespmem:$0x12A00] =	vst v63  }
0x9e: {  	s12 =	simm.s32 $0x0  }
0x9f: {  	[tilespmem:s16], [sflag:$0x3] =	stream.indirect_vreg.gather [hbm4b:s10+s2], $0x80, v3, vm1, $0xb8;
	[tilespmem:$0x12A00] =	vst v63  }
0xa0: {  	v3 =	vld [tilespmem:s12+$0x0]  }
0xa1: {  	s15 =	simm.s32 $0x40;
	v4 =	vld [tilespmem:s12+$0x380]  }
.LBB2_2:
0xa2: {  	_ = 	snop  }
0xa3: {  	p0 =	sne.s32 s15, $0xC40  }
.Ltmp2:
0xa4: {  	_ = 	snop;
	(pc) =	sbr.rel @p0 .LBB2_2-.Ltmp2, $4  }
0xa5: {  	v5 =	vmul.u32 $0x3E8, v3  }
0xa6: {  	s18 =	sshra.s32 s15, $0x2  }
0xa7: {  	v3 =	vld [tilespmem:s18+$0x0];
	v5 =	vadd.s32 v4, v5  }
0xa8: {  	s15 =	sadd.s32 $0x40, s15;
	v4 =	vld [tilespmem:s18+$0x380];
	[tilespmem:s12+$0x700] =	vst v5;
	s12 =	smov.u32 s18  }
0xa9: {  	_ =	sdelay $0x2  }
0xaa: {  	v3 =	vmul.u32 $0x3E8, v3;
	_ =	sdelay $0x1  }
0xab: {  	s18 =	simm.s32 $0x320;
	v3 =	vadd.s32 v4, v3  }
0xac: {  	s15 =	simm.s32 $0x700;
	s19 =	simm.s32 $0xA80;
	[tilespmem:s12+$0x700] =	vst v3;
	s12 =	rddreg [dreg:$0x2]  }
0xad: {  	[tilespmem:s19], [sflag:$0x1] =	stream.indirect.gather [hbm4b:s12+s18], $0x1, s15, s18, $0xb8;
	[tilespmem:$0x12A00] =	vst v63  }
0xae: {  	s12 =	simm.s32 $0x0;
	s15 =	rddreg [dreg:$0x3];
	s19 =	simm.s32 $0xE00  }
0xaf: {  	[tilespmem:s19], [sflag:$0x1] =	stream.indirect.gather [hbm4b:s15+s18], $0x1, s12, s18, $0xb8;
	[tilespmem:$0x12A00] =	vst v63  }
0xb0: {  	s18 =	simm.s32 $0x1  }
0xb1: {  	_ =	swait.ge [sflag:s18], $0x320  }
0xb2: {  	[sflag:s18] =	ssyncset.done $0x0  }
0xb3: {  	[sflag:s18] =	ssyncadd.s32 $0xFFFFFCE0  }
0xb4: {  	_ =	swait.ge [sflag:s18], $0x320  }
0xb5: {  	[sflag:s18] =	ssyncset.done $0x0  }
0xb6: {  	s19 =	simm.s32 $0x0;
	[sflag:s18] =	ssyncadd.s32 $0xFFFFFCE0  }
0xb7: {  	v4 =	vld [tilespmem:s19+$0xE00]  }
0xb8: {  	v3 =	vimm.f32 $0.0e+00;
	s12 =	simm.s32 $0x40;
	v5 =	vld [tilespmem:s19+$0xA80]  }
.LBB2_4:
0xb9: {  	_ = 	snop  }
0xba: {  	p0 =	sne.s32 s12, $0xC40  }
.Ltmp3:
0xbb: {  	_ = 	snop;
	(pc) =	sbr.rel @p0 .LBB2_4-.Ltmp3, $4  }
0xbc: {  	_ = 	snop  }
0xbd: {  	s15 =	sshra.s32 s12, $0x2;
	v6 =	vsub.f32 v4, v5  }
0xbe: {  	v4 =	vld [tilespmem:s15+$0xE00]  }
0xbf: {  	s12 =	sadd.s32 $0x40, s12;
	v5 =	vld [tilespmem:s15+$0xA80];
	v3 =	vadd.f32 v6, v3  }
0xc0: {  	_ =	sdelay $0x3  }
0xc1: {  	v4 =	vsub.f32 v4, v5;
	_ =	sdelay $0x1  }
0xc2: {  	v3 =	vadd.f32 v4, v3  }
0xc3: {  	s12 =	simm.s32 $0x0  }
0xc4: {  	s15 =	rddreg [dreg:$0x6];
	s18 =	simm.s32 $0x12980;
	s19 =	simm.s32 $0x6;
	[tilespmem:$0x12980] =	vst v3  }
0xc5: {  	[hbm4b:s15+s12] =	stream.linear.scatter [tilespmem:s18], [sflag:$0x6], $0x80, $0x38;
	[tilespmem:$0x12A00] =	vst v63  }
0xc6: {  	_ =	swait.ge [sflag:s19], $0x80  }
0xc7: {  	[sflag:s19] =	ssyncset.done $0x0  }
0xc8: {  	s15 =	simm.s32 $0x98;
	[sflag:s19] =	ssyncadd.s32 $0xFFFFFF80;
	s19 =	simm.s32 $0xC180  }
.LBB2_6:
0xc9: {  	_ =	swait.ge [sflag:s4], $0x8C00  }
0xca: {  	[sflag:s4] =	ssyncset.done $0x0  }
0xcb: {  	s18 =	sadd.s32 s12, s14;
	[sflag:s4] =	ssyncadd.s32 $0xFFFF7400  }
0xcc: {  	[hbm4b:s18+s2] =	stream.linear.scatter [tilespmem:s17], [sflag:$0x4], $0x8C00, $0x38;
	[tilespmem:$0x12A00] =	vst v63  }
0xcd: {  	_ =	swait.ge [sflag:s5], $0x8C00  }
0xce: {  	p0 =	seq.s32 s12, $0x13B00;
	[sflag:s5] =	ssyncset.done $0x0  }
.Ltmp4:
0xcf: {  	s18 =	sadd.s32 s12, s13;
	[sflag:s5] =	ssyncadd.s32 $0xFFFF7400;
	(pc) =	sbr.rel @p0 .LBB2_8-.Ltmp4, $4  }
0xd0: {  	[hbm4b:s18+s2] =	stream.linear.scatter [tilespmem:s7], [sflag:$0x5], $0x8C00, $0x38;
	[tilespmem:$0x12A00] =	vst v63  }
0xd1: {  	_ =	swait.ge [sflag:s6], $0x8C00  }
0xd2: {  	[sflag:s6] =	ssyncset.done $0x0  }
0xd3: {  	[sflag:s6] =	ssyncadd.s32 $0xFFFF7400  }
0xd4: {  	v3 =	vld [tilespmem:s15+$0xFFFFFFB8];
	_ =	sdelay $0x4  }
0xd5: {  	v4 =	vshrl.u32 v3, $0x3  }
0xd6: {  	v4 =	vmul.u32 $0x38, v4  }
0xd7: {  	v3 =	vand.u32 $0x7, v3  }
0xd8: {  	v3 =	vor.u32 v3, v4  }
0xd9: {  	v4 =	vperm.xlane v3, v0;
	_ =	sdelay $0x1  }
0xda: {  	v4 =	vadd.s32 v1, v4;
	_ =	sdelay $0x4  }
0xdb: {  	[tilespmem:s17], [sflag:$0x2] =	stream.indirect_vreg.gather [hbm4b:s3+s2], $0x80, v4, vm0, $0xb8;
	[tilespmem:$0x12A00] =	vst v63  }
0xdc: {  	s18 =	simm.s32 $0x1980;
	v3 =	vperm.xlane v3, v2  }
0xdd: {  	[tilespmem:s18], [sflag:$0x2] =	stream.indirect_vreg.gather [hbm4b:s8+s2], $0x80, v4, vm0, $0xb8;
	[tilespmem:$0x12A00] =	vst v63  }
0xde: {  	v3 =	vadd.s32 v1, v3;
	s18 =	simm.s32 $0x2180  }
0xdf: {  	[tilespmem:s18], [sflag:$0x2] =	stream.indirect_vreg.gather [hbm4b:s9+s2], $0x80, v4, vm0, $0xb8;
	[tilespmem:$0x12A00] =	vst v63  }
0xe0: {  	s18 =	simm.s32 $0x2980  }
0xe1: {  	[tilespmem:s18], [sflag:$0x2] =	stream.indirect_vreg.gather [hbm4b:s10+s2], $0x80, v4, vm1, $0xb8;
	[tilespmem:$0x12A00] =	vst v63  }
0xe2: {  	s18 =	simm.s32 $0x2D80  }
0xe3: {  	[tilespmem:s18], [sflag:$0x2] =	stream.indirect_vreg.gather [hbm4b:s3+s2], $0x80, v3, vm0, $0xb8;
	[tilespmem:$0x12A00] =	vst v63  }
0xe4: {  	s18 =	simm.s32 $0x3580  }
0xe5: {  	[tilespmem:s18], [sflag:$0x2] =	stream.indirect_vreg.gather [hbm4b:s8+s2], $0x80, v3, vm0, $0xb8;
	[tilespmem:$0x12A00] =	vst v63  }
0xe6: {  	s18 =	simm.s32 $0x3D80  }
0xe7: {  	[tilespmem:s18], [sflag:$0x2] =	stream.indirect_vreg.gather [hbm4b:s9+s2], $0x80, v3, vm0, $0xb8;
	[tilespmem:$0x12A00] =	vst v63  }
0xe8: {  	s18 =	simm.s32 $0x4580  }
0xe9: {  	[tilespmem:s18], [sflag:$0x2] =	stream.indirect_vreg.gather [hbm4b:s10+s2], $0x80, v3, vm1, $0xb8;
	[tilespmem:$0x12A00] =	vst v63  }
0xea: {  	v3 =	vld [tilespmem:s15+$0xFFFFFFC8];
	_ =	sdelay $0x4  }
0xeb: {  	v59 =	vshrl.u32 v3, $0x3  }
0xec: {  	v4 =	vmul.u32 $0x38, v59  }
0xed: {  	v3 =	vand.u32 $0x7, v3  }
0xee: {  	v3 =	vor.u32 v3, v4  }
0xef: {  	v4 =	vperm.xlane v3, v0;
	_ =	sdelay $0x1  }
0xf0: {  	v4 =	vadd.s32 v1, v4;
	_ =	sdelay $0x3  }
0xf1: {  	s18 =	simm.s32 $0x4980  }
0xf2: {  	[tilespmem:s18], [sflag:$0x2] =	stream.indirect_vreg.gather [hbm4b:s3+s2], $0x80, v4, vm0, $0xb8;
	[tilespmem:$0x12A00] =	vst v63  }
0xf3: {  	v3 =	vperm.xlane v3, v2;
	s18 =	simm.s32 $0x5180  }
0xf4: {  	[tilespmem:s18], [sflag:$0x2] =	stream.indirect_vreg.gather [hbm4b:s8+s2], $0x80, v4, vm0, $0xb8;
	[tilespmem:$0x12A00] =	vst v63  }
0xf5: {  	v3 =	vadd.s32 v1, v3;
	s18 =	simm.s32 $0x5980  }
0xf6: {  	[tilespmem:s18], [sflag:$0x2] =	stream.indirect_vreg.gather [hbm4b:s9+s2], $0x80, v4, vm0, $0xb8;
	[tilespmem:$0x12A00] =	vst v63  }
0xf7: {  	s18 =	simm.s32 $0x6180  }
0xf8: {  	[tilespmem:s18], [sflag:$0x2] =	stream.indirect_vreg.gather [hbm4b:s10+s2], $0x80, v4, vm1, $0xb8;
	[tilespmem:$0x12A00] =	vst v63  }
0xf9: {  	s18 =	simm.s32 $0x6580  }
0xfa: {  	[tilespmem:s18], [sflag:$0x2] =	stream.indirect_vreg.gather [hbm4b:s3+s2], $0x80, v3, vm0, $0xb8;
	[tilespmem:$0x12A00] =	vst v63  }
0xfb: {  	s18 =	simm.s32 $0x6D80  }
0xfc: {  	[tilespmem:s18], [sflag:$0x2] =	stream.indirect_vreg.gather [hbm4b:s8+s2], $0x80, v3, vm0, $0xb8;
	[tilespmem:$0x12A00] =	vst v63  }
0xfd: {  	s18 =	simm.s32 $0x7580  }
0xfe: {  	[tilespmem:s18], [sflag:$0x2] =	stream.indirect_vreg.gather [hbm4b:s9+s2], $0x80, v3, vm0, $0xb8;
	[tilespmem:$0x12A00] =	vst v63  }
0xff: {  	s18 =	simm.s32 $0x7D80  }
0x100: {  	[tilespmem:s18], [sflag:$0x2] =	stream.indirect_vreg.gather [hbm4b:s10+s2], $0x80, v3, vm1, $0xb8;
	[tilespmem:$0x12A00] =	vst v63  }
0x101: {  	v3 =	vld.msk [tilespmem:s15+$0xFFFFFFD8], $0xff;
	_ =	sdelay $0x4  }
0x102: {  	v60 =	vshrl.u32 v3, $0x3  }
0x103: {  	v4 =	vmul.u32 $0x38, v60  }
0x104: {  	v3 =	vand.u32 $0x7, v3  }
0x105: {  	v3 =	vor.u32 v3, v4  }
0x106: {  	v3 =	vperm.xlane v3, v0;
	_ =	sdelay $0x1  }
0x107: {  	v3 =	vadd.s32 v1, v3;
	_ =	sdelay $0x3  }
0x108: {  	s18 =	simm.s32 $0x8180  }
0x109: {  	[tilespmem:s18], [sflag:$0x2] =	stream.indirect_vreg.gather [hbm4b:s3+s2], $0x80, v3, vm0, $0xb8;
	[tilespmem:$0x12A00] =	vst v63  }
0x10a: {  	s18 =	simm.s32 $0x8980  }
0x10b: {  	[tilespmem:s18], [sflag:$0x2] =	stream.indirect_vreg.gather [hbm4b:s8+s2], $0x80, v3, vm0, $0xb8;
	[tilespmem:$0x12A00] =	vst v63  }
0x10c: {  	s18 =	simm.s32 $0x9180  }
0x10d: {  	[tilespmem:s18], [sflag:$0x2] =	stream.indirect_vreg.gather [hbm4b:s9+s2], $0x80, v3, vm0, $0xb8;
	[tilespmem:$0x12A00] =	vst v63  }
0x10e: {  	s18 =	simm.s32 $0x9980  }
0x10f: {  	[tilespmem:s18], [sflag:$0x2] =	stream.indirect_vreg.gather [hbm4b:s10+s2], $0x80, v3, vm1, $0xb8;
	[tilespmem:$0x12A00] =	vst v63  }
0x110: {  	_ =	swait.ge [sflag:s11], $0x8C00  }
0x111: {  	[sflag:s11] =	ssyncset.done $0x0  }
0x112: {  	[sflag:s11] =	ssyncadd.s32 $0xFFFF7400  }
0x113: {  	v3 =	vld [tilespmem:s15+$0xFFFFFFE0];
	_ =	sdelay $0x4  }
0x114: {  	v61 =	vshrl.u32 v3, $0x3  }
0x115: {  	v4 =	vmul.u32 $0x38, v61  }
0x116: {  	v3 =	vand.u32 $0x7, v3  }
0x117: {  	v3 =	vor.u32 v3, v4  }
0x118: {  	v4 =	vperm.xlane v3, v0;
	_ =	sdelay $0x1  }
0x119: {  	v4 =	vadd.s32 v1, v4;
	_ =	sdelay $0x4  }
0x11a: {  	[tilespmem:s7], [sflag:$0x3] =	stream.indirect_vreg.gather [hbm4b:s3+s2], $0x80, v4, vm0, $0xb8;
	[tilespmem:$0x12A00] =	vst v63  }
0x11b: {  	s18 =	simm.s32 $0xA580;
	v3 =	vperm.xlane v3, v2  }
0x11c: {  	[tilespmem:s18], [sflag:$0x3] =	stream.indirect_vreg.gather [hbm4b:s8+s2], $0x80, v4, vm0, $0xb8;
	[tilespmem:$0x12A00] =	vst v63  }
0x11d: {  	v3 =	vadd.s32 v1, v3;
	s18 =	simm.s32 $0xAD80  }
0x11e: {  	[tilespmem:s18], [sflag:$0x3] =	stream.indirect_vreg.gather [hbm4b:s9+s2], $0x80, v4, vm0, $0xb8;
	[tilespmem:$0x12A00] =	vst v63  }
0x11f: {  	s18 =	simm.s32 $0xB580  }
0x120: {  	[tilespmem:s18], [sflag:$0x3] =	stream.indirect_vreg.gather [hbm4b:s10+s2], $0x80, v4, vm1, $0xb8;
	[tilespmem:$0x12A00] =	vst v63  }
0x121: {  	s18 =	simm.s32 $0xB980  }
0x122: {  	[tilespmem:s18], [sflag:$0x3] =	stream.indirect_vreg.gather [hbm4b:s3+s2], $0x80, v3, vm0, $0xb8;
	[tilespmem:$0x12A00] =	vst v63  }
0x123: {  	_ = 	snop  }
0x124: {  	[tilespmem:s19], [sflag:$0x3] =	stream.indirect_vreg.gather [hbm4b:s8+s2], $0x80, v3, vm0, $0xb8;
	[tilespmem:$0x12A00] =	vst v63  }
0x125: {  	_ = 	snop  }
0x126: {  	[tilespmem:s20], [sflag:$0x3] =	stream.indirect_vreg.gather [hbm4b:s9+s2], $0x80, v3, vm0, $0xb8;
	[tilespmem:$0x12A00] =	vst v63  }
0x127: {  	_ = 	snop  }
0x128: {  	[tilespmem:s21], [sflag:$0x3] =	stream.indirect_vreg.gather [hbm4b:s10+s2], $0x80, v3, vm1, $0xb8;
	[tilespmem:$0x12A00] =	vst v63  }
0x129: {  	v3 =	vld [tilespmem:s15+$0xFFFFFFF0];
	_ =	sdelay $0x4  }
0x12a: {  	v62 =	vshrl.u32 v3, $0x3  }
0x12b: {  	v4 =	vmul.u32 $0x38, v62  }
0x12c: {  	v3 =	vand.u32 $0x7, v3  }
0x12d: {  	v3 =	vor.u32 v3, v4  }
0x12e: {  	v4 =	vperm.xlane v3, v0;
	_ =	sdelay $0x1  }
0x12f: {  	v4 =	vadd.s32 v1, v4;
	_ =	sdelay $0x4  }
0x130: {  	[tilespmem:s22], [sflag:$0x3] =	stream.indirect_vreg.gather [hbm4b:s3+s2], $0x80, v4, vm0, $0xb8;
	[tilespmem:$0x12A00] =	vst v63  }
0x131: {  	v3 =	vperm.xlane v3, v2  }
0x132: {  	[tilespmem:s23], [sflag:$0x3] =	stream.indirect_vreg.gather [hbm4b:s8+s2], $0x80, v4, vm0, $0xb8;
	[tilespmem:$0x12A00] =	vst v63  }
0x133: {  	v3 =	vadd.s32 v1, v3  }
0x134: {  	[tilespmem:s24], [sflag:$0x3] =	stream.indirect_vreg.gather [hbm4b:s9+s2], $0x80, v4, vm0, $0xb8;
	[tilespmem:$0x12A00] =	vst v63  }
0x135: {  	_ = 	snop  }
0x136: {  	[tilespmem:s25], [sflag:$0x3] =	stream.indirect_vreg.gather [hbm4b:s10+s2], $0x80, v4, vm1, $0xb8;
	[tilespmem:$0x12A00] =	vst v63  }
0x137: {  	_ = 	snop  }
0x138: {  	[tilespmem:s26], [sflag:$0x3] =	stream.indirect_vreg.gather [hbm4b:s3+s2], $0x80, v3, vm0, $0xb8;
	[tilespmem:$0x12A00] =	vst v63  }
0x139: {  	_ = 	snop  }
0x13a: {  	[tilespmem:s28], [sflag:$0x3] =	stream.indirect_vreg.gather [hbm4b:s8+s2], $0x80, v3, vm0, $0xb8;
	[tilespmem:$0x12A00] =	vst v63  }
0x13b: {  	_ = 	snop  }
0x13c: {  	[tilespmem:s29], [sflag:$0x3] =	stream.indirect_vreg.gather [hbm4b:s9+s2], $0x80, v3, vm0, $0xb8;
	[tilespmem:$0x12A00] =	vst v63  }
0x13d: {  	_ = 	snop  }
0x13e: {  	[tilespmem:s30], [sflag:$0x3] =	stream.indirect_vreg.gather [hbm4b:s10+s2], $0x80, v3, vm1, $0xb8;
	[tilespmem:$0x12A00] =	vst v63  }
0x13f: {  	v3 =	vld.msk [tilespmem:s15+$0x0], $0xff;
	_ =	sdelay $0x4  }
0x140: {  	v63 =	vshrl.u32 v3, $0x3  }
0x141: {  	v4 =	vmul.u32 $0x38, v63  }
0x142: {  	v3 =	vand.u32 $0x7, v3  }
0x143: {  	v3 =	vor.u32 v3, v4  }
0x144: {  	v3 =	vperm.xlane v3, v0;
	_ =	sdelay $0x1  }
0x145: {  	v3 =	vadd.s32 v1, v3;
	_ =	sdelay $0x4  }
0x146: {  	[tilespmem:s31], [sflag:$0x3] =	stream.indirect_vreg.gather [hbm4b:s3+s2], $0x80, v3, vm0, $0xb8;
	[tilespmem:$0x12A00] =	vst v63  }
0x147: {  	_ = 	snop  }
0x148: {  	[tilespmem:s1], [sflag:$0x3] =	stream.indirect_vreg.gather [hbm4b:s8+s2], $0x80, v3, vm0, $0xb8;
	[tilespmem:$0x12A00] =	vst v63  }
.Ltmp5:
0x149: {  	_ = 	snop;
	(pc) =	sbr.rel .LBB2_6-.Ltmp5, $4  }
0x14a: {  	_ = 	snop  }
0x14b: {  	[tilespmem:s0], [sflag:$0x3] =	stream.indirect_vreg.gather [hbm4b:s9+s2], $0x80, v3, vm0, $0xb8;
	[tilespmem:$0x12A00] =	vst v63  }
0x14c: {  	s12 =	sadd.s32 $0x2300, s12;
	s15 =	sadd.s32 $0x50, s15  }
0x14d: {  	[tilespmem:s16], [sflag:$0x3] =	stream.indirect_vreg.gather [hbm4b:s10+s2], $0x80, v3, vm1, $0xb8;
	[tilespmem:$0x12A00] =	vst v63  }
.LBB2_9:
0x14e: {  	_ =	sfence.sel $0x180000  }
0x14f: {  	[bflag:$0x0] =	sbarrier.arrive $0xFFFF  }
0x150: {  	_ =	strace $0x9000004A  }
0x151: {  	s0 =	stileid.u32;
	[bflag:$0x2] =	sbarrier.arrive $0xFFFF  }
0x152: {  	p0 =	sne.s32 s0, $0x0;
	s0 =	rddreg [dreg:$0x1]  }
0x153: {  	s0 =	sadd.s32 @!p0 $0x100000, s0  }
0x154: {  	[sflag:s0] =	ssyncadd.tile.s32 @!p0 $0x1;
	_ =	shalt  }
.Lfunc_end2:
_tile_overlayer_lowered:
.L_overlay_start_2:
0x155: {  	(tag) =	ssettag $0x2  }
0x156: {  	s0 =	rddreg [dreg:$0x0];
	s2 =	stileid.u32  }
0x157: {  	s1 =	rddreg [dreg:$0x1];
	p0 =	sne.s32 s2, $0x0  }
0x158: {  	s3 =	rddreg [dreg:$0x2];
	[bflag:$0x3] =	sbarrier.arrive $0xFFFF;
	s2 =	simm.s32 @!p0 $0x1C06  }
0x159: {  	[timem:s3], [sflag:s2] =	dma.local @!p0 [hbm:s0], s1  }
0x15a: {  	s0 =	simm.s32 @!p0 $0x6  }
0x15b: {  	_ =	swait.ge @!p0 [sflag:s0], s1  }
0x15c: {  	s1 =	ssub.s32 @!p0 $0x0, s1;
	[sflag:s0] =	ssyncset.done @!p0 $0x0  }
0x15d: {  	[sflag:s0] =	ssyncadd.s32 @!p0 s1  }
0x15e: {  	[bflag:$0x3] =	sbarrier.arrive $0xFFFF  }
0x15f: {  	_ =	shalt  }

// kernel: kernel.7.cloned.1.call-start
scs
__scs_entry_jumppad:
0x0: {  	(pc) =	sbr.rel $0x88, $3  }
0x1: {  	(tag) =	ssettag $0x0;
	lr =	simm.s32 $0x1  }
0x2: {  	[smem:$0x3F9E] =	sst lr;
	_ =	strace $0xD0000000  }
0x3: {  	_ = 	snop  }
0x4: {  	_ = 	snop  }
0x5: {  	_ = 	snop  }
0x6: {  	_ = 	snop  }
0x7: {  	_ = 	snop  }
__scs_overlays_trampoline_lowered:
0x8: {  	[smem:$0x3FAD] =	sst s0  }
0x9: {  	[smem:$0x3FAE] =	sst s1  }
0xa: {  	[smem:$0x3FAF] =	sst s2  }
0xb: {  	[smem:$0x3FB0] =	sst s3  }
0xc: {  	[smem:$0x3FB1] =	sst s4  }
0xd: {  	[smem:$0x3FB2] =	sst s5  }
0xe: {  	[smem:$0x3FB3] =	sst s6  }
0xf: {  	[smem:$0x3FB4] =	sst s7  }
0x10: {  	[smem:$0x3FB5] =	sst s8  }
0x11: {  	[smem:$0x3FB6] =	sst s9;
	s0 =	simm.s32 @!p0 $0x0  }
0x12: {  	s1 =	sld [smem:$0x3F9C];
	s0 =	simm.s32 @p0 $0x1  }
0x13: {  	[smem:$0x3FB7] =	sst s0;
	s0 =	simm.s32 @!p1 $0x0  }
0x14: {  	s2 =	sld [smem:$0x3F9B];
	s0 =	simm.s32 @p1 $0x1  }
0x15: {  	[smem:$0x3FB8] =	sst s0;
	s0 =	simm.s32 @!p2 $0x0  }
0x16: {  	s3 =	sld [smem:$0x3FDB];
	s0 =	simm.s32 @p2 $0x1  }
0x17: {  	s4 =	simm.s32 $0x1BF5;
	[smem:$0x3FBA] =	sst s0  }
0x18: {  	s0 =	sld [smem:$0x3F9D];
	_ =	swait.ge [sflag:s4], $0x0  }
0x19: {  	s7 =	sld [smem:$0x3F9E]  }
0x1a: {  	s8 =	sadd.s32 $0xFFFFE003, lr  }
0x1b: {  	s9 =	sadd.s32 $0xFFFFFEF7, lr;
	s5 =	simm.s32 $0xFFFFFFFF;
	p2 =	slt.u32 s8, $0xFFFFF086  }
0x1c: {  	p1 =	slt.u32 s9, $0xF7A;
	s5 =	simm.s32 @!p2 $0x0  }
0x1d: {  	s5 =	simm.s32 @p1 $0x1;
	p0 =	seq.s32 s7, s2  }
0x1e: {  	s7 =	smul.u32 @!p0 $0xF7A, s2;
	p2 =	seq.s32 @!p0 s5, $0x0  }
0x1f: {  	s9 =	smul.u32 $0xF7A, s1;
	s8 =	simm.s32 @!p0 $0x1BF5;
	p2 =	por !p2, p0  }
0x20: {  	[sflag:s8] =	ssyncset.s32 @!p0 $0xFFFFF086;
	s6 =	sadd.s32 @!p0 s3, s7;
	s7 =	simm.s32 @!p0 $0x108  }
0x21: {  	s3 =	sadd.s32 s3, s9;
	s6 =	sadd.s32 @!p0 $0x88, s6;
	s7 =	simm.s32 @p2 $0x1082  }
0x22: {  	[simem:s7], [sflag:s8] =	dma.local @!p0 [hbm:s6], $0xF7A  }
0x23: {  	s9 =	sor.u32 $0xD0000000, s2;
	s6 =	simm.s32 $0x108;
	_ =	swait.ge @!p0 [sflag:s8], $0x0  }
0x24: {  	s3 =	sadd.s32 $0x88, s3;
	s6 =	simm.s32 @!p1 $0x1082;
	[sflag:s4] =	ssyncset.s32 $0xFFFFF086  }
0x25: {  	[simem:s6], [sflag:s4] =	dma.local [hbm:s3], $0xF7A  }
0x26: {  	[smem:$0x3F9E] =	sst s1;
	(tag) =	ssettag s2;
	_ =	strace s9  }
0x27: {  	s1 =	sld [smem:$0x3FAE]  }
0x28: {  	s2 =	sld [smem:$0x3FAF]  }
0x29: {  	s4 =	sld [smem:$0x3FB1]  }
0x2a: {  	p0 =	seq.s32 s5, $0x0;
	s5 =	sld [smem:$0x3FB2]  }
0x2b: {  	s6 =	sld [smem:$0x3FB3]  }
0x2c: {  	s7 =	sld [smem:$0x3FB4]  }
0x2d: {  	s3 =	simm.s32 $0x108;
	s8 =	sld [smem:$0x3FB5]  }
0x2e: {  	s3 =	simm.s32 @!p0 $0x1082;
	s9 =	sld [smem:$0x3FB6]  }
0x2f: {  	lr =	sadd.s32 s0, s3;
	s0 =	sld [smem:$0x3FAD]  }
0x30: {  	s3 =	sld [smem:$0x3FB0]  }
0x31: {  	[smem:$0x3FB9] =	sst s10  }
0x32: {  	s10 =	sld [smem:$0x3FB7];
	_ =	sdelay $0x3  }
0x33: {  	p0 =	seq.s32 s10, $0x1;
	s10 =	sld [smem:$0x3FB9];
	_ =	sdelay $0x3  }
0x34: {  	[smem:$0x3FB9] =	sst s10  }
0x35: {  	s10 =	sld [smem:$0x3FB8];
	_ =	sdelay $0x3  }
0x36: {  	p1 =	seq.s32 s10, $0x1;
	s10 =	sld [smem:$0x3FB9];
	_ =	sdelay $0x3  }
0x37: {  	[smem:$0x3FB9] =	sst s10  }
0x38: {  	s10 =	sld [smem:$0x3FBA]  }
0x39: {  	_ = 	snop;
	(pc) =	sbr.ind lr, $3  }
0x3a: {  	_ = 	snop  }
0x3b: {  	_ = 	snop  }
0x3c: {  	p2 =	seq.s32 s10, $0x1;
	s10 =	sld [smem:$0x3FB9]  }
0x3d: {  	_ =	shalt  }
0x3e: {  	_ =	shalt  }
0x3f: {  	_ =	shalt  }
0x40: {  	_ =	shalt  }
0x41: {  	_ =	shalt  }
0x42: {  	_ =	shalt  }
0x43: {  	_ =	shalt  }
0x44: {  	_ =	shalt  }
0x45: {  	_ =	shalt  }
0x46: {  	_ =	shalt  }
0x47: {  	_ =	shalt  }
0x48: {  	_ =	shalt  }
0x49: {  	_ =	shalt  }
0x4a: {  	_ =	shalt  }
0x4b: {  	_ =	shalt  }
0x4c: {  	_ =	shalt  }
0x4d: {  	_ =	shalt  }
0x4e: {  	_ =	shalt  }
0x4f: {  	_ =	shalt  }
0x50: {  	_ =	shalt  }
0x51: {  	_ =	shalt  }
0x52: {  	_ =	shalt  }
0x53: {  	_ =	shalt  }
0x54: {  	_ =	shalt  }
0x55: {  	_ =	shalt  }
0x56: {  	_ =	shalt  }
0x57: {  	_ =	shalt  }
0x58: {  	_ =	shalt  }
0x59: {  	_ =	shalt  }
0x5a: {  	_ =	shalt  }
0x5b: {  	_ =	shalt  }
0x5c: {  	_ =	shalt  }
0x5d: {  	_ =	shalt  }
0x5e: {  	_ =	shalt  }
0x5f: {  	_ =	shalt  }
0x60: {  	_ =	shalt  }
0x61: {  	_ =	shalt  }
0x62: {  	_ =	shalt  }
0x63: {  	_ =	shalt  }
0x64: {  	_ =	shalt  }
0x65: {  	_ =	shalt  }
0x66: {  	_ =	shalt  }
0x67: {  	_ =	shalt  }
0x68: {  	_ =	shalt  }
0x69: {  	_ =	shalt  }
0x6a: {  	_ =	shalt  }
0x6b: {  	_ =	shalt  }
0x6c: {  	_ =	shalt  }
0x6d: {  	_ =	shalt  }
0x6e: {  	_ =	shalt  }
0x6f: {  	_ =	shalt  }
0x70: {  	_ =	shalt  }
0x71: {  	_ =	shalt  }
0x72: {  	_ =	shalt  }
0x73: {  	_ =	shalt  }
0x74: {  	_ =	shalt  }
0x75: {  	_ =	shalt  }
0x76: {  	_ =	shalt  }
0x77: {  	_ =	shalt  }
0x78: {  	_ =	shalt  }
0x79: {  	_ =	shalt  }
0x7a: {  	_ =	shalt  }
0x7b: {  	_ =	shalt  }
0x7c: {  	_ =	shalt  }
0x7d: {  	_ =	shalt  }
0x7e: {  	_ =	shalt  }
0x7f: {  	_ =	shalt  }
0x80: {  	_ =	shalt  }
0x81: {  	_ =	shalt  }
0x82: {  	_ =	shalt  }
0x83: {  	_ =	shalt  }
0x84: {  	_ =	shalt  }
0x85: {  	_ =	shalt  }
0x86: {  	_ =	shalt  }
0x87: {  	_ =	shalt  }
.Lfunc_end0:
.L_simem_size_0:
called_computation_lowered:
.L_overlay_start_0:
0x88: {  	s2 =	sld [smem:$0x3FD9]  }
0x89: {  	s3 =	sld [smem:$0x3FFE];
	_ =	sdelay $0x1  }
0x8a: {  	s1 =	srdreg.scid  }
0x8b: {  	s0 =	sand.u32 $0x1, s1  }
0x8c: {  	s14 =	sshll.u32 s0, $0xA;
	s2 =	sadd.s32 s3, s2  }
0x8d: {  	s2 =	sadd.s32 s2, s14  }
0x8e: {  	[smem:$0x3FC5] =	sst s2  }
0x8f: {  	_ = 	snop  }
0x90: {  	s2 =	sld [smem:$0x3FD0];
	_ =	sdelay $0x2  }
0x91: {  	s15 =	simm.s32 $0xB;
	s4 =	simm.s32 $0x10  }
0x92: {  	[smem:s4], [sflag:s15] =	dma.local [hbm:s2], $0x1  }
0x93: {  	_ =	swait.eq [sflag:s15], $0x1  }
0x94: {  	[sflag:s15] =	ssyncset.done $0x0  }
0x95: {  	[sflag:s15] =	ssyncadd.s32 $0xFFFFFFFF  }
0x96: {  	s16 =	sld [smem:$0x10];
	(tm) =	ssettm $0x1  }
0x97: {  	s17 =	sld [smem:$0x3FFB];
	_ =	sdelay $0x3  }
0x98: {  	_ =	strace s17  }
0x99: {  	s3 =	sld [smem:$0x3FFC];
	_ =	sdelay $0x3  }
0x9a: {  	_ =	strace s3  }
0x9b: {  	s3 =	sld [smem:$0x3FFD];
	_ =	sdelay $0x3  }
0x9c: {  	_ =	strace s3  }
0x9d: {  	_ =	strace $0x8FFFFFFF  }
0x9e: {  	s18 =	sld [smem:$0x3FDB];
	_ =	sdelay $0x1  }
0x9f: {  	s19 =	simm.s32 $_scs_section_size  }
0xa0: {  	s5 =	simm.s32 $_size__tile_overlayer_lowered;
	s6 =	simm.s32 $_tile_overlayer_lowered  }
0xa1: {  	s22 =	simm.s32 $0x1BFF;
	s21 =	sshll.u32 s6, $0x1;
	s3 =	sadd.s32 s19, s18  }
0xa2: {  	s7 =	simm.s32 $0x0;
	s20 =	sshll.u32 s5, $0x1;
	s5 =	sadd.s32 s21, s3  }
0xa3: {  	[timem:s7], [sflag:s22] =	dma.local [hbm:s5], s20  }
0xa4: {  	_ =	swait.ge [sflag:s22], s20  }
0xa5: {  	s4 =	ssub.s32 $0x0, s20;
	[sflag:s22] =	ssyncset.done $0x0  }
0xa6: {  	[sflag:s22] =	ssyncadd.s32 s4;
	_ =	sdelay $0x1  }
0xa7: {  	s23 =	simm.s32 $0x1B8B  }
0xa8: {  	_ =	swait.ge [sflag:s23], $0x1  }
0xa9: {  	[sflag:s23] =	ssyncset.done $0x0  }
0xaa: {  	s25 =	simm.s32 $0x1B8E;
	s24 =	sld [smem:$0x3FFE];
	[sflag:s23] =	ssyncadd.s32 $0xFFFFFFFF  }
0xab: {  	s26 =	simm.s32 $execute0_lowered;
	[smem:$0x3FD2] =	sst s25  }
0xac: {  	s5 =	sshll.u32 s26, $0x1;
	_ =	strace $0x80000046;
	[dreg:$0x1] =	wrdreg $0xFFFFFFFF  }
0xad: {  	s28 =	simm.s32 $_size_execute0_lowered;
	s3 =	sadd.s32 s3, s5;
	[dreg:$0x0] =	wrdreg $0x0  }
0xae: {  	s5 =	sshll.u32 s28, $0x1;
	[dreg:$0x2] =	wrdreg s3  }
0xaf: {  	[dreg:$0x3] =	wrdreg s5  }
0xb0: {  	[dreg:$0x4] =	wrdreg $0xC0  }
0xb1: {  	_ =	task [dreg:s7], $0x5FFFF  }
0xb2: {  	[dreg:$0x1] =	wrdreg $0xFFFFFFFF  }
0xb3: {  	[dreg:$0x0] =	wrdreg $0x60  }
0xb4: {  	[dreg:$0x2] =	wrdreg s24  }
0xb5: {  	[dreg:$0x3] =	wrdreg s16  }
0xb6: {  	[dreg:$0x4] =	wrdreg $0x9  }
0xb7: {  	_ =	task.clear_ibuf [dreg:s7], $0x5FFFF;
	_ =	strace $0x90000046  }
0xb8: {  	s29 =	simm.s32 $0x9;
	_ =	strace $0x80000048  }
0xb9: {  	_ =	swait.ge [sflag:s29], $0x1  }
0xba: {  	[sflag:s29] =	ssyncadd.s32 $0xFFFFFFFF  }
0xbb: {  	_ =	strace $0x90000048  }
0xbc: {  	_ =	sfence  }
0xbd: {  	s30 =	sld [smem:$0x0];
	_ =	sdelay $0x2  }
0xbe: {  	s31 =	sshll.u32 s1, $0xD;
	s1 =	sshrl.u32 s1, $0x2  }
0xbf: {  	s3 =	sand.u32 $0x4000, s31;
	s1 =	sadd.s32 s1, s30  }
0xc0: {  	s0 =	sor.u32 s3, s0;
	s1 =	sshll.u32 s1, $0x11  }
0xc1: {  	s0 =	sor.u32 s1, s0  }
0xc2: {  	s0 =	sadd.s32 $0x8F2B, s0  }
0xc3: {  	[sflag:s0] =	ssyncadd.remote.s32 $0x1  }
0xc4: {  	_ =	sfence.sel $0xFFFF  }
0xc5: {  	[dreg:$0x0] =	wrdreg $0xFFFFFFFF;
	(pc) =	sbr.abs _section_cstart, $3  }
0xc6: {  	[dreg:$0x1] =	wrdreg $0xFFFFFFFF  }
0xc7: {  	_ =	task.clear_ibuf [dreg:s7], $0x2FFFF;
	_ =	strace $0x9FFFFFFF  }
0xc8: {  	(tm) =	ssettm $0x7FFFFFFF  }
0xc9: {  	_ =	shalt  }
tec
execute0_lowered:
.L_overlay_start_1:
0x0: {  	(tag) =	ssettag $0x1  }
0x1: {  	s0 =	rddreg [dreg:$0x0];
	s1 =	srdreg.scid  }
0x2: {  	s7 =	stileid.u32;
	s4 =	rddreg [dreg:$0x1];
	s2 =	simm.s32 $0x0  }
0x3: {  	s17 =	simm.s32 $0x1180;
	s19 =	simm.s32 $0xC180;
	s20 =	simm.s32 $0xC980  }
0x4: {  	s28 =	simm.s32 $0xF980;
	s29 =	simm.s32 $0x10180;
	s30 =	simm.s32 $0x10980  }
0x5: {  	s31 =	simm.s32 $0x10D80;
	s16 =	simm.s32 $0x12580;
	s15 =	simm.s32 $0x0  }
0x6: {  	s1 =	sand.u32 $0x1, s1;
	s3 =	sshll.u32 s7, $0x1;
	[smem:$0x7FF] =	sst s2  }
0x7: {  	s7 =	smul.u32 $0x640, s7;
	s8 =	sadd.s32 $0x1CA00, s0;
	s10 =	sadd.s32 $0x3C200, s0  }
0x8: {  	s11 =	sadd.s32 $0x3C400, s0;
	s5 =	sor.u32 s1, s3;
	_ =	strace $0x80000047  }
0x9: {  	s3 =	sadd.s32 $0x1400, s0;
	[dreg:$0x3] =	wrdreg s8;
	s9 =	smul.u32 $0x320, s1  }
0xa: {  	[dreg:$0x4] =	wrdreg s10;
	s1 =	ssub.s32 $0x2, s1;
	s8 =	sadd.s32 $0x1500, s0  }
0xb: {  	s10 =	sadd.s32 $0x1700, s0;
	s6 =	smul.u32 $0x320, s5;
	s5 =	sshll.u32 s5, $0x4  }
0xc: {  	s22 =	sshrl.u32 s1, $0x1;
	s7 =	sadd.s32 s9, s7;
	s5 =	sadd.s32 s5, s0  }
0xd: {  	s1 =	ssub.s32 s1, s22;
	s22 =	simm.s32 $0xD580;
	s6 =	sshrl.u32 s6, $0x3  }
0xe: {  	s9 =	sadd.s32 $0x28, s7;
	s25 =	sshrl.u32 s7, $0x3;
	s5 =	sadd.s32 $0x2F8400, s5  }
0xf: {  	s1 =	smax.u32 s1, $0x1;
	s7 =	simm.s32 $0x9D80;
	s21 =	sadd.s32 s6, s0  }
0x10: {  	s4 =	sadd.s32 s4, s6;
	s24 =	sshrl.u32 s9, $0x3;
	[dreg:$0x7] =	wrdreg s5  }
0x11: {  	s9 =	sadd.s32 $0x1600, s0;
	s26 =	smul.u32 $0x380, s25;
	[dreg:$0x8] =	wrdreg s1  }
0x12: {  	s25 =	simm.s32 $0xED80;
	s1 =	simm.s32 $0x11580;
	s0 =	simm.s32 $0x11D80  }
.Ltmp0:
0x13: {  	s5 =	simm.s32 $0x3;
	s6 =	simm.s32 $0x4;
	(pc) =	sbr.rel .LBB2_1-.Ltmp0, $4  }
0x14: {  	[dreg:$0x5] =	wrdreg s4;
	s23 =	sadd.s32 $0x3B400, s21;
	s4 =	smul.u32 $0x380, s24  }
0x15: {  	v2 =	vlaneseq.u32;
	s21 =	simm.s32 $0xD180;
	s24 =	simm.s32 $0xE580;
	[dreg:$0x6] =	wrdreg s23  }
0x16: {  	vm0 =	vmmov $0xffff;
	vm1 =	vmmov $0xff;
	v1 =	vshrl.u32 v2, $0x3;
	s14 =	sadd.s32 s26, s11;
	s23 =	simm.s32 $0xDD80;
	s26 =	simm.s32 $0xF180  }
0x17: {  	v0 =	vand.u32 $0x7, v2;
	v2 =	vor.u32 $0x8, v2;
	v1 =	vmul.u32 $0x8, v1;
	s13 =	sadd.s32 s4, s11;
	s4 =	simm.s32 $0x2;
	s11 =	simm.s32 $0x5  }
.LBB2_8:
0x18: {  	_ =	swait.ge [sflag:s11], $0x8C00  }
0x19: {  	s15 =	rddreg [dreg:$0x9]  }
0x1a: {  	s12 =	rddreg [dreg:$0x8];
	s15 =	sadd.s32 $0x1, s15  }
0x1b: {  	p0 =	sne.s32 s15, s12  }
.Ltmp1:
0x1c: {  	_ = 	snop;
	(pc) =	sbr.rel @!p0 .LBB2_9-.Ltmp1, $3  }
0x1d: {  	_ =	sdelay $0x1  }
0x1e: {  	[sflag:s11] =	ssyncset.done $0x0  }
0x1f: {  	[sflag:s11] =	ssyncadd.s32 $0xFFFF7400  }
.LBB2_1:
0x20: {  	[dreg:$0x9] =	wrdreg s15  }
0x21: {  	s12 =	rddreg [dreg:$0x5];
	s15 =	simm.s32 $0x6  }
0x22: {  	[tilespmem:s2], [sflag:$0x6] =	stream.linear.gather [hbm4b:s12+s2], $0x320, $0x38;
	[tilespmem:$0x12A00] =	vst v63  }
0x23: {  	_ =	swait.ge [sflag:s15], $0x320  }
0x24: {  	[sflag:s15] =	ssyncset.done $0x0  }
0x25: {  	s18 =	simm.s32 $0x380;
	s12 =	rddreg [dreg:$0x6];
	[sflag:s15] =	ssyncadd.s32 $0xFFFFFCE0  }
0x26: {  	[tilespmem:s18], [sflag:$0x6] =	stream.linear.gather [hbm4b:s12+s2], $0x320, $0x38;
	[tilespmem:$0x12A00] =	vst v63  }
0x27: {  	_ =	swait.ge [sflag:s15], $0x320  }
0x28: {  	[sflag:s15] =	ssyncset.done $0x0  }
0x29: {  	[sflag:s15] =	ssyncadd.s32 $0xFFFFFCE0  }
0x2a: {  	v3 =	vld [tilespmem:$0x0];
	_ =	sdelay $0x4  }
0x2b: {  	v4 =	vshrl.u32 v3, $0x3  }
0x2c: {  	v4 =	vmul.u32 $0x38, v4  }
0x2d: {  	v3 =	vand.u32 $0x7, v3  }
0x2e: {  	v3 =	vor.u32 v3, v4  }
0x2f: {  	v4 =	vperm.xlane v3, v0;
	_ =	sdelay $0x1  }
0x30: {  	v4 =	vadd.s32 v1, v4;
	_ =	sdelay $0x4  }
0x31: {  	[tilespmem:s17], [sflag:$0x2] =	stream.indirect_vreg.gather [hbm4b:s3+s2], $0x80, v4, vm0, $0xb8;
	[tilespmem:$0x12A00] =	vst v63  }
0x32: {  	s18 =	simm.s32 $0x1980;
	v3 =	vperm.xlane v3, v2  }
0x33: {  	[tilespmem:s18], [sflag:$0x2] =	stream.indirect_vreg.gather [hbm4b:s8+s2], $0x80, v4, vm0, $0xb8;
	[tilespmem:$0x12A00] =	vst v63  }
0x34: {  	s15 =	simm.s32 $0x2180;
	v3 =	vadd.s32 v1, v3  }
0x35: {  	[tilespmem:s15], [sflag:$0x2] =	stream.indirect_vreg.gather [hbm4b:s9+s2], $0x80, v4, vm0, $0xb8;
	[tilespmem:$0x12A00] =	vst v63  }
0x36: {  	s18 =	simm.s32 $0x2980  }
0x37: {  	[tilespmem:s18], [sflag:$0x2] =	stream.indirect_vreg.gather [hbm4b:s10+s2], $0x80, v4, vm1, $0xb8;
	[tilespmem:$0x12A00] =	vst v63  }
0x38: {  	s15 =	simm.s32 $0x2D80  }
0x39: {  	[tilespmem:s15], [sflag:$0x2] =	stream.indirect_vreg.gather [hbm4b:s3+s2], $0x80, v3, vm0, $0xb8;
	[tilespmem:$0x12A00] =	vst v63  }
0x3a: {  	s18 =	simm.s32 $0x3580  }
0x3b: {  	[tilespmem:s18], [sflag:$0x2] =	stream.indirect_vreg.gather [hbm4b:s8+s2], $0x80, v3, vm0, $0xb8;
	[tilespmem:$0x12A00] =	vst v63  }
0x3c: {  	s15 =	simm.s32 $0x3D80  }
0x3d: {  	[tilespmem:s15], [sflag:$0x2] =	stream.indirect_vreg.gather [hbm4b:s9+s2], $0x80, v3, vm0, $0xb8;
	[tilespmem:$0x12A00] =	vst v63  }
0x3e: {  	s18 =	simm.s32 $0x4580  }
0x3f: {  	[tilespmem:s18], [sflag:$0x2] =	stream.indirect_vreg.gather [hbm4b:s10+s2], $0x80, v3, vm1, $0xb8;
	[tilespmem:$0x12A00] =	vst v63  }
0x40: {  	v3 =	vld [tilespmem:$0x10];
	_ =	sdelay $0x4  }
0x41: {  	v4 =	vshrl.u32 v3, $0x3  }
0x42: {  	v4 =	vmul.u32 $0x38, v4  }
0x43: {  	v3 =	vand.u32 $0x7, v3  }
0x44: {  	v3 =	vor.u32 v3, v4  }
0x45: {  	v4 =	vperm.xlane v3, v0;
	_ =	sdelay $0x1  }
0x46: {  	v4 =	vadd.s32 v1, v4;
	_ =	sdelay $0x3  }
0x47: {  	s15 =	simm.s32 $0x4980  }
0x48: {  	[tilespmem:s15], [sflag:$0x2] =	stream.indirect_vreg.gather [hbm4b:s3+s2], $0x80, v4, vm0, $0xb8;
	[tilespmem:$0x12A00] =	vst v63  }
0x49: {  	s18 =	simm.s32 $0x5180;
	v3 =	vperm.xlane v3, v2  }
0x4a: {  	[tilespmem:s18], [sflag:$0x2] =	stream.indirect_vreg.gather [hbm4b:s8+s2], $0x80, v4, vm0, $0xb8;
	[tilespmem:$0x12A00] =	vst v63  }
0x4b: {  	v3 =	vadd.s32 v1, v3;
	s15 =	simm.s32 $0x5980  }
0x4c: {  	[tilespmem:s15], [sflag:$0x2] =	stream.indirect_vreg.gather [hbm4b:s9+s2], $0x80, v4, vm0, $0xb8;
	[tilespmem:$0x12A00] =	vst v63  }
0x4d: {  	s18 =	simm.s32 $0x6180  }
0x4e: {  	[tilespmem:s18], [sflag:$0x2] =	stream.indirect_vreg.gather [hbm4b:s10+s2], $0x80, v4, vm1, $0xb8;
	[tilespmem:$0x12A00] =	vst v63  }
0x4f: {  	s15 =	simm.s32 $0x6580  }
0x50: {  	[tilespmem:s15], [sflag:$0x2] =	stream.indirect_vreg.gather [hbm4b:s3+s2], $0x80, v3, vm0, $0xb8;
	[tilespmem:$0x12A00] =	vst v63  }
0x51: {  	s18 =	simm.s32 $0x6D80  }
0x52: {  	[tilespmem:s18], [sflag:$0x2] =	stream.indirect_vreg.gather [hbm4b:s8+s2], $0x80, v3, vm0, $0xb8;
	[tilespmem:$0x12A00] =	vst v63  }
0x53: {  	s15 =	simm.s32 $0x7580  }
0x54: {  	[tilespmem:s15], [sflag:$0x2] =	stream.indirect_vreg.gather [hbm4b:s9+s2], $0x80, v3, vm0, $0xb8;
	[tilespmem:$0x12A00] =	vst v63  }
0x55: {  	s18 =	simm.s32 $0x7D80  }
0x56: {  	[tilespmem:s18], [sflag:$0x2] =	stream.indirect_vreg.gather [hbm4b:s10+s2], $0x80, v3, vm1, $0xb8;
	[tilespmem:$0x12A00] =	vst v63  }
0x57: {  	v3 =	vld.msk [tilespmem:$0x20], $0xff;
	_ =	sdelay $0x4  }
0x58: {  	v4 =	vshrl.u32 v3, $0x3  }
0x59: {  	v4 =	vmul.u32 $0x38, v4  }
0x5a: {  	v3 =	vand.u32 $0x7, v3  }
0x5b: {  	v3 =	vor.u32 v3, v4  }
0x5c: {  	v3 =	vperm.xlane v3, v0;
	_ =	sdelay $0x1  }
0x5d: {  	v3 =	vadd.s32 v1, v3;
	_ =	sdelay $0x3  }
0x5e: {  	s15 =	simm.s32 $0x8180  }
0x5f: {  	[tilespmem:s15], [sflag:$0x2] =	stream.indirect_vreg.gather [hbm4b:s3+s2], $0x80, v3, vm0, $0xb8;
	[tilespmem:$0x12A00] =	vst v63  }
0x60: {  	s18 =	simm.s32 $0x8980  }
0x61: {  	[tilespmem:s18], [sflag:$0x2] =	stream.indirect_vreg.gather [hbm4b:s8+s2], $0x80, v3, vm0, $0xb8;
	[tilespmem:$0x12A00] =	vst v63  }
0x62: {  	s15 =	simm.s32 $0x9180  }
0x63: {  	[tilespmem:s15], [sflag:$0x2] =	stream.indirect_vreg.gather [hbm4b:s9+s2], $0x80, v3, vm0, $0xb8;
	[tilespmem:$0x12A00] =	vst v63  }
0x64: {  	s18 =	simm.s32 $0x9980  }
0x65: {  	[tilespmem:s18], [sflag:$0x2] =	stream.indirect_vreg.gather [hbm4b:s10+s2], $0x80, v3, vm1, $0xb8;
	[tilespmem:$0x12A00] =	vst v63  }
0x66: {  	v3 =	vld [tilespmem:$0x28];
	_ =	sdelay $0x4  }
0x67: {  	v4 =	vshrl.u32 v3, $0x3  }
0x68: {  	v4 =	vmul.u32 $0x38, v4  }
0x69: {  	v3 =	vand.u32 $0x7, v3  }
0x6a: {  	v3 =	vor.u32 v3, v4  }
0x6b: {  	v4 =	vperm.xlane v3, v0;
	_ =	sdelay $0x1  }
0x6c: {  	v4 =	vadd.s32 v1, v4;
	_ =	sdelay $0x4  }
0x6d: {  	[tilespmem:s7], [sflag:$0x3] =	stream.indirect_vreg.gather [hbm4b:s3+s2], $0x80, v4, vm0, $0xb8;
	[tilespmem:$0x12A00] =	vst v63  }
0x6e: {  	s15 =	simm.s32 $0xA580;
	v3 =	vperm.xlane v3, v2  }
0x6f: {  	[tilespmem:s15], [sflag:$0x3] =	stream.indirect_vreg.gather [hbm4b:s8+s2], $0x80, v4, vm0, $0xb8;
	[tilespmem:$0x12A00] =	vst v63  }
0x70: {  	s18 =	simm.s32 $0xAD80;
	v3 =	vadd.s32 v1, v3  }
0x71: {  	[tilespmem:s18], [sflag:$0x3] =	stream.indirect_vreg.gather [hbm4b:s9+s2], $0x80, v4, vm0, $0xb8;
	[tilespmem:$0x12A00] =	vst v63  }
0x72: {  	s15 =	simm.s32 $0xB580  }
0x73: {  	[tilespmem:s15], [sflag:$0x3] =	stream.indirect_vreg.gather [hbm4b:s10+s2], $0x80, v4, vm1, $0xb8;
	[tilespmem:$0x12A00] =	vst v63  }
0x74: {  	s18 =	simm.s32 $0xB980  }
0x75: {  	[tilespmem:s18], [sflag:$0x3] =	stream.indirect_vreg.gather [hbm4b:s3+s2], $0x80, v3, vm0, $0xb8;
	[tilespmem:$0x12A00] =	vst v63  }
0x76: {  	_ = 	snop  }
0x77: {  	[tilespmem:s19], [sflag:$0x3] =	stream.indirect_vreg.gather [hbm4b:s8+s2], $0x80, v3, vm0, $0xb8;
	[tilespmem:$0x12A00] =	vst v63  }
0x78: {  	_ = 	snop  }
0x79: {  	[tilespmem:s20], [sflag:$0x3] =	stream.indirect_vreg.gather [hbm4b:s9+s2], $0x80, v3, vm0, $0xb8;
	[tilespmem:$0x12A00] =	vst v63  }
0x7a: {  	_ = 	snop  }
0x7b: {  	[tilespmem:s21], [sflag:$0x3] =	stream.indirect_vreg.gather [hbm4b:s10+s2], $0x80, v3, vm1, $0xb8;
	[tilespmem:$0x12A00] =	vst v63  }
0x7c: {  	v3 =	vld [tilespmem:$0x38];
	_ =	sdelay $0x4  }
0x7d: {  	v4 =	vshrl.u32 v3, $0x3  }
0x7e: {  	v4 =	vmul.u32 $0x38, v4  }
0x7f: {  	v3 =	vand.u32 $0x7, v3  }
0x80: {  	v3 =	vor.u32 v3, v4  }
0x81: {  	v4 =	vperm.xlane v3, v0;
	_ =	sdelay $0x1  }
0x82: {  	v4 =	vadd.s32 v1, v4;
	_ =	sdelay $0x4  }
0x83: {  	[tilespmem:s22], [sflag:$0x3] =	stream.indirect_vreg.gather [hbm4b:s3+s2], $0x80, v4, vm0, $0xb8;
	[tilespmem:$0x12A00] =	vst v63  }
0x84: {  	v3 =	vperm.xlane v3, v2  }
0x85: {  	[tilespmem:s23], [sflag:$0x3] =	stream.indirect_vreg.gather [hbm4b:s8+s2], $0x80, v4, vm0, $0xb8;
	[tilespmem:$0x12A00] =	vst v63  }
0x86: {  	v3 =	vadd.s32 v1, v3  }
0x87: {  	[tilespmem:s24], [sflag:$0x3] =	stream.indirect_vreg.gather [hbm4b:s9+s2], $0x80, v4, vm0, $0xb8;
	[tilespmem:$0x12A00] =	vst v63  }
0x88: {  	_ = 	snop  }
0x89: {  	[tilespmem:s25], [sflag:$0x3] =	stream.indirect_vreg.gather [hbm4b:s10+s2], $0x80, v4, vm1, $0xb8;
	[tilespmem:$0x12A00] =	vst v63  }
0x8a: {  	_ = 	snop  }
0x8b: {  	[tilespmem:s26], [sflag:$0x3] =	stream.indirect_vreg.gather [hbm4b:s3+s2], $0x80, v3, vm0, $0xb8;
	[tilespmem:$0x12A00] =	vst v63  }
0x8c: {  	_ = 	snop  }
0x8d: {  	[tilespmem:s28], [sflag:$0x3] =	stream.indirect_vreg.gather [hbm4b:s8+s2], $0x80, v3, vm0, $0xb8;
	[tilespmem:$0x12A00] =	vst v63  }
0x8e: {  	_ = 	snop  }
0x8f: {  	[tilespmem:s29], [sflag:$0x3] =	stream.indirect_vreg.gather [hbm4b:s9+s2], $0x80, v3, vm0, $0xb8;
	[tilespmem:$0x12A00] =	vst v63  }
0x90: {  	_ = 	snop  }
0x91: {  	[tilespmem:s30], [sflag:$0x3] =	stream.indirect_vreg.gather [hbm4b:s10+s2], $0x80, v3, vm1, $0xb8;
	[tilespmem:$0x12A00] =	vst v63  }
0x92: {  	v3 =	vld.msk [tilespmem:$0x48], $0xff;
	_ =	sdelay $0x4  }
0x93: {  	v4 =	vshrl.u32 v3, $0x3  }
0x94: {  	v4 =	vmul.u32 $0x38, v4  }
0x95: {  	v3 =	vand.u32 $0x7, v3  }
0x96: {  	v3 =	vor.u32 v3, v4  }
0x97: {  	v3 =	vperm.xlane v3, v0;
	_ =	sdelay $0x1  }
0x98: {  	v3 =	vadd.s32 v1, v3;
	_ =	sdelay $0x4  }
0x99: {  	[tilespmem:s31], [sflag:$0x3] =	stream.indirect_vreg.gather [hbm4b:s3+s2], $0x80, v3, vm0, $0xb8;
	[tilespmem:$0x12A00] =	vst v63  }
0x9a: {  	_ = 	snop  }
0x9b: {  	[tilespmem:s1], [sflag:$0x3] =	stream.indirect_vreg.gather [hbm4b:s8+s2], $0x80, v3, vm0, $0xb8;
	[tilespmem:$0x12A00] =	vst v63  }
0x9c: {  	_ = 	snop  }
0x9d: {  	[tilespmem:s0], [sflag:$0x3] =	stream.indirect_vreg.gather [hbm4b:s9+s2], $0x80, v3, vm0, $0xb8;
	[tilespmem:$0x12A00] =	vst v63  }
0x9e: {  	s12 =	simm.s32 $0x0  }
0x9f: {  	[tilespmem:s16], [sflag:$0x3] =	stream.indirect_vreg.gather [hbm4b:s10+s2], $0x80, v3, vm1, $0xb8;
	[tilespmem:$0x12A00] =	vst v63  }
0xa0: {  	v3 =	vld [tilespmem:s12+$0x0]  }
0xa1: {  	s15 =	simm.s32 $0x40;
	v4 =	vld [tilespmem:s12+$0x380]  }
.LBB2_2:
0xa2: {  	_ = 	snop  }
0xa3: {  	p0 =	sne.s32 s15, $0xC40  }
.Ltmp2:
0xa4: {  	_ = 	snop;
	(pc) =	sbr.rel @p0 .LBB2_2-.Ltmp2, $4  }
0xa5: {  	v5 =	vmul.u32 $0x3E8, v3  }
0xa6: {  	s18 =	sshra.s32 s15, $0x2  }
0xa7: {  	v3 =	vld [tilespmem:s18+$0x0];
	v5 =	vadd.s32 v4, v5  }
0xa8: {  	s15 =	sadd.s32 $0x40, s15;
	v4 =	vld [tilespmem:s18+$0x380];
	[tilespmem:s12+$0x700] =	vst v5;
	s12 =	smov.u32 s18  }
0xa9: {  	_ =	sdelay $0x2  }
0xaa: {  	v3 =	vmul.u32 $0x3E8, v3;
	_ =	sdelay $0x1  }
0xab: {  	s18 =	simm.s32 $0x320;
	v3 =	vadd.s32 v4, v3  }
0xac: {  	s15 =	simm.s32 $0x700;
	s19 =	simm.s32 $0xA80;
	[tilespmem:s12+$0x700] =	vst v3;
	s12 =	rddreg [dreg:$0x3]  }
0xad: {  	[tilespmem:s19], [sflag:$0x1] =	stream.indirect.gather [hbm4b:s12+s18], $0x1, s15, s18, $0xb8;
	[tilespmem:$0x12A00] =	vst v63  }
0xae: {  	s12 =	simm.s32 $0x0;
	s15 =	rddreg [dreg:$0x4];
	s19 =	simm.s32 $0xE00  }
0xaf: {  	[tilespmem:s19], [sflag:$0x1] =	stream.indirect.gather [hbm4b:s15+s18], $0x1, s12, s18, $0xb8;
	[tilespmem:$0x12A00] =	vst v63  }
0xb0: {  	s18 =	simm.s32 $0x1  }
0xb1: {  	_ =	swait.ge [sflag:s18], $0x320  }
0xb2: {  	[sflag:s18] =	ssyncset.done $0x0  }
0xb3: {  	[sflag:s18] =	ssyncadd.s32 $0xFFFFFCE0  }
0xb4: {  	_ =	swait.ge [sflag:s18], $0x320  }
0xb5: {  	[sflag:s18] =	ssyncset.done $0x0  }
0xb6: {  	s19 =	simm.s32 $0x0;
	[sflag:s18] =	ssyncadd.s32 $0xFFFFFCE0  }
0xb7: {  	v4 =	vld [tilespmem:s19+$0xE00]  }
0xb8: {  	v3 =	vimm.f32 $0.0e+00;
	s12 =	simm.s32 $0x40;
	v5 =	vld [tilespmem:s19+$0xA80]  }
.LBB2_4:
0xb9: {  	_ = 	snop  }
0xba: {  	p0 =	sne.s32 s12, $0xC40  }
.Ltmp3:
0xbb: {  	_ = 	snop;
	(pc) =	sbr.rel @p0 .LBB2_4-.Ltmp3, $4  }
0xbc: {  	_ = 	snop  }
0xbd: {  	s15 =	sshra.s32 s12, $0x2;
	v6 =	vsub.f32 v4, v5  }
0xbe: {  	v4 =	vld [tilespmem:s15+$0xE00]  }
0xbf: {  	s12 =	sadd.s32 $0x40, s12;
	v5 =	vld [tilespmem:s15+$0xA80];
	v3 =	vadd.f32 v6, v3  }
0xc0: {  	_ =	sdelay $0x3  }
0xc1: {  	v4 =	vsub.f32 v4, v5;
	_ =	sdelay $0x1  }
0xc2: {  	v3 =	vadd.f32 v4, v3  }
0xc3: {  	s12 =	simm.s32 $0x0  }
0xc4: {  	s15 =	rddreg [dreg:$0x7];
	s18 =	simm.s32 $0x12980;
	s19 =	simm.s32 $0x6;
	[tilespmem:$0x12980] =	vst v3  }
0xc5: {  	[hbm4b:s15+s12] =	stream.linear.scatter [tilespmem:s18], [sflag:$0x6], $0x80, $0x38;
	[tilespmem:$0x12A00] =	vst v63  }
0xc6: {  	_ =	swait.ge [sflag:s19], $0x80  }
0xc7: {  	[sflag:s19] =	ssyncset.done $0x0  }
0xc8: {  	s15 =	simm.s32 $0x98;
	[sflag:s19] =	ssyncadd.s32 $0xFFFFFF80;
	s19 =	simm.s32 $0xC180  }
.LBB2_6:
0xc9: {  	_ =	swait.ge [sflag:s4], $0x8C00  }
0xca: {  	[sflag:s4] =	ssyncset.done $0x0  }
0xcb: {  	s18 =	sadd.s32 s12, s14;
	[sflag:s4] =	ssyncadd.s32 $0xFFFF7400  }
0xcc: {  	[hbm4b:s18+s2] =	stream.linear.scatter [tilespmem:s17], [sflag:$0x4], $0x8C00, $0x38;
	[tilespmem:$0x12A00] =	vst v63  }
0xcd: {  	_ =	swait.ge [sflag:s5], $0x8C00  }
0xce: {  	p0 =	seq.s32 s12, $0x13B00;
	[sflag:s5] =	ssyncset.done $0x0  }
.Ltmp4:
0xcf: {  	s18 =	sadd.s32 s12, s13;
	[sflag:s5] =	ssyncadd.s32 $0xFFFF7400;
	(pc) =	sbr.rel @p0 .LBB2_8-.Ltmp4, $4  }
0xd0: {  	[hbm4b:s18+s2] =	stream.linear.scatter [tilespmem:s7], [sflag:$0x5], $0x8C00, $0x38;
	[tilespmem:$0x12A00] =	vst v63  }
0xd1: {  	_ =	swait.ge [sflag:s6], $0x8C00  }
0xd2: {  	[sflag:s6] =	ssyncset.done $0x0  }
0xd3: {  	[sflag:s6] =	ssyncadd.s32 $0xFFFF7400  }
0xd4: {  	v3 =	vld [tilespmem:s15+$0xFFFFFFB8];
	_ =	sdelay $0x4  }
0xd5: {  	v4 =	vshrl.u32 v3, $0x3  }
0xd6: {  	v4 =	vmul.u32 $0x38, v4  }
0xd7: {  	v3 =	vand.u32 $0x7, v3  }
0xd8: {  	v3 =	vor.u32 v3, v4  }
0xd9: {  	v4 =	vperm.xlane v3, v0;
	_ =	sdelay $0x1  }
0xda: {  	v4 =	vadd.s32 v1, v4;
	_ =	sdelay $0x4  }
0xdb: {  	[tilespmem:s17], [sflag:$0x2] =	stream.indirect_vreg.gather [hbm4b:s3+s2], $0x80, v4, vm0, $0xb8;
	[tilespmem:$0x12A00] =	vst v63  }
0xdc: {  	s18 =	simm.s32 $0x1980;
	v3 =	vperm.xlane v3, v2  }
0xdd: {  	[tilespmem:s18], [sflag:$0x2] =	stream.indirect_vreg.gather [hbm4b:s8+s2], $0x80, v4, vm0, $0xb8;
	[tilespmem:$0x12A00] =	vst v63  }
0xde: {  	v3 =	vadd.s32 v1, v3;
	s18 =	simm.s32 $0x2180  }
0xdf: {  	[tilespmem:s18], [sflag:$0x2] =	stream.indirect_vreg.gather [hbm4b:s9+s2], $0x80, v4, vm0, $0xb8;
	[tilespmem:$0x12A00] =	vst v63  }
0xe0: {  	s18 =	simm.s32 $0x2980  }
0xe1: {  	[tilespmem:s18], [sflag:$0x2] =	stream.indirect_vreg.gather [hbm4b:s10+s2], $0x80, v4, vm1, $0xb8;
	[tilespmem:$0x12A00] =	vst v63  }
0xe2: {  	s18 =	simm.s32 $0x2D80  }
0xe3: {  	[tilespmem:s18], [sflag:$0x2] =	stream.indirect_vreg.gather [hbm4b:s3+s2], $0x80, v3, vm0, $0xb8;
	[tilespmem:$0x12A00] =	vst v63  }
0xe4: {  	s18 =	simm.s32 $0x3580  }
0xe5: {  	[tilespmem:s18], [sflag:$0x2] =	stream.indirect_vreg.gather [hbm4b:s8+s2], $0x80, v3, vm0, $0xb8;
	[tilespmem:$0x12A00] =	vst v63  }
0xe6: {  	s18 =	simm.s32 $0x3D80  }
0xe7: {  	[tilespmem:s18], [sflag:$0x2] =	stream.indirect_vreg.gather [hbm4b:s9+s2], $0x80, v3, vm0, $0xb8;
	[tilespmem:$0x12A00] =	vst v63  }
0xe8: {  	s18 =	simm.s32 $0x4580  }
0xe9: {  	[tilespmem:s18], [sflag:$0x2] =	stream.indirect_vreg.gather [hbm4b:s10+s2], $0x80, v3, vm1, $0xb8;
	[tilespmem:$0x12A00] =	vst v63  }
0xea: {  	v3 =	vld [tilespmem:s15+$0xFFFFFFC8];
	_ =	sdelay $0x4  }
0xeb: {  	v59 =	vshrl.u32 v3, $0x3  }
0xec: {  	v4 =	vmul.u32 $0x38, v59  }
0xed: {  	v3 =	vand.u32 $0x7, v3  }
0xee: {  	v3 =	vor.u32 v3, v4  }
0xef: {  	v4 =	vperm.xlane v3, v0;
	_ =	sdelay $0x1  }
0xf0: {  	v4 =	vadd.s32 v1, v4;
	_ =	sdelay $0x3  }
0xf1: {  	s18 =	simm.s32 $0x4980  }
0xf2: {  	[tilespmem:s18], [sflag:$0x2] =	stream.indirect_vreg.gather [hbm4b:s3+s2], $0x80, v4, vm0, $0xb8;
	[tilespmem:$0x12A00] =	vst v63  }
0xf3: {  	v3 =	vperm.xlane v3, v2;
	s18 =	simm.s32 $0x5180  }
0xf4: {  	[tilespmem:s18], [sflag:$0x2] =	stream.indirect_vreg.gather [hbm4b:s8+s2], $0x80, v4, vm0, $0xb8;
	[tilespmem:$0x12A00] =	vst v63  }
0xf5: {  	v3 =	vadd.s32 v1, v3;
	s18 =	simm.s32 $0x5980  }
0xf6: {  	[tilespmem:s18], [sflag:$0x2] =	stream.indirect_vreg.gather [hbm4b:s9+s2], $0x80, v4, vm0, $0xb8;
	[tilespmem:$0x12A00] =	vst v63  }
0xf7: {  	s18 =	simm.s32 $0x6180  }
0xf8: {  	[tilespmem:s18], [sflag:$0x2] =	stream.indirect_vreg.gather [hbm4b:s10+s2], $0x80, v4, vm1, $0xb8;
	[tilespmem:$0x12A00] =	vst v63  }
0xf9: {  	s18 =	simm.s32 $0x6580  }
0xfa: {  	[tilespmem:s18], [sflag:$0x2] =	stream.indirect_vreg.gather [hbm4b:s3+s2], $0x80, v3, vm0, $0xb8;
	[tilespmem:$0x12A00] =	vst v63  }
0xfb: {  	s18 =	simm.s32 $0x6D80  }
0xfc: {  	[tilespmem:s18], [sflag:$0x2] =	stream.indirect_vreg.gather [hbm4b:s8+s2], $0x80, v3, vm0, $0xb8;
	[tilespmem:$0x12A00] =	vst v63  }
0xfd: {  	s18 =	simm.s32 $0x7580  }
0xfe: {  	[tilespmem:s18], [sflag:$0x2] =	stream.indirect_vreg.gather [hbm4b:s9+s2], $0x80, v3, vm0, $0xb8;
	[tilespmem:$0x12A00] =	vst v63  }
0xff: {  	s18 =	simm.s32 $0x7D80  }
0x100: {  	[tilespmem:s18], [sflag:$0x2] =	stream.indirect_vreg.gather [hbm4b:s10+s2], $0x80, v3, vm1, $0xb8;
	[tilespmem:$0x12A00] =	vst v63  }
0x101: {  	v3 =	vld.msk [tilespmem:s15+$0xFFFFFFD8], $0xff;
	_ =	sdelay $0x4  }
0x102: {  	v60 =	vshrl.u32 v3, $0x3  }
0x103: {  	v4 =	vmul.u32 $0x38, v60  }
0x104: {  	v3 =	vand.u32 $0x7, v3  }
0x105: {  	v3 =	vor.u32 v3, v4  }
0x106: {  	v3 =	vperm.xlane v3, v0;
	_ =	sdelay $0x1  }
0x107: {  	v3 =	vadd.s32 v1, v3;
	_ =	sdelay $0x3  }
0x108: {  	s18 =	simm.s32 $0x8180  }
0x109: {  	[tilespmem:s18], [sflag:$0x2] =	stream.indirect_vreg.gather [hbm4b:s3+s2], $0x80, v3, vm0, $0xb8;
	[tilespmem:$0x12A00] =	vst v63  }
0x10a: {  	s18 =	simm.s32 $0x8980  }
0x10b: {  	[tilespmem:s18], [sflag:$0x2] =	stream.indirect_vreg.gather [hbm4b:s8+s2], $0x80, v3, vm0, $0xb8;
	[tilespmem:$0x12A00] =	vst v63  }
0x10c: {  	s18 =	simm.s32 $0x9180  }
0x10d: {  	[tilespmem:s18], [sflag:$0x2] =	stream.indirect_vreg.gather [hbm4b:s9+s2], $0x80, v3, vm0, $0xb8;
	[tilespmem:$0x12A00] =	vst v63  }
0x10e: {  	s18 =	simm.s32 $0x9980  }
0x10f: {  	[tilespmem:s18], [sflag:$0x2] =	stream.indirect_vreg.gather [hbm4b:s10+s2], $0x80, v3, vm1, $0xb8;
	[tilespmem:$0x12A00] =	vst v63  }
0x110: {  	_ =	swait.ge [sflag:s11], $0x8C00  }
0x111: {  	[sflag:s11] =	ssyncset.done $0x0  }
0x112: {  	[sflag:s11] =	ssyncadd.s32 $0xFFFF7400  }
0x113: {  	v3 =	vld [tilespmem:s15+$0xFFFFFFE0];
	_ =	sdelay $0x4  }
0x114: {  	v61 =	vshrl.u32 v3, $0x3  }
0x115: {  	v4 =	vmul.u32 $0x38, v61  }
0x116: {  	v3 =	vand.u32 $0x7, v3  }
0x117: {  	v3 =	vor.u32 v3, v4  }
0x118: {  	v4 =	vperm.xlane v3, v0;
	_ =	sdelay $0x1  }
0x119: {  	v4 =	vadd.s32 v1, v4;
	_ =	sdelay $0x4  }
0x11a: {  	[tilespmem:s7], [sflag:$0x3] =	stream.indirect_vreg.gather [hbm4b:s3+s2], $0x80, v4, vm0, $0xb8;
	[tilespmem:$0x12A00] =	vst v63  }
0x11b: {  	s18 =	simm.s32 $0xA580;
	v3 =	vperm.xlane v3, v2  }
0x11c: {  	[tilespmem:s18], [sflag:$0x3] =	stream.indirect_vreg.gather [hbm4b:s8+s2], $0x80, v4, vm0, $0xb8;
	[tilespmem:$0x12A00] =	vst v63  }
0x11d: {  	v3 =	vadd.s32 v1, v3;
	s18 =	simm.s32 $0xAD80  }
0x11e: {  	[tilespmem:s18], [sflag:$0x3] =	stream.indirect_vreg.gather [hbm4b:s9+s2], $0x80, v4, vm0, $0xb8;
	[tilespmem:$0x12A00] =	vst v63  }
0x11f: {  	s18 =	simm.s32 $0xB580  }
0x120: {  	[tilespmem:s18], [sflag:$0x3] =	stream.indirect_vreg.gather [hbm4b:s10+s2], $0x80, v4, vm1, $0xb8;
	[tilespmem:$0x12A00] =	vst v63  }
0x121: {  	s18 =	simm.s32 $0xB980  }
0x122: {  	[tilespmem:s18], [sflag:$0x3] =	stream.indirect_vreg.gather [hbm4b:s3+s2], $0x80, v3, vm0, $0xb8;
	[tilespmem:$0x12A00] =	vst v63  }
0x123: {  	_ = 	snop  }
0x124: {  	[tilespmem:s19], [sflag:$0x3] =	stream.indirect_vreg.gather [hbm4b:s8+s2], $0x80, v3, vm0, $0xb8;
	[tilespmem:$0x12A00] =	vst v63  }
0x125: {  	_ = 	snop  }
0x126: {  	[tilespmem:s20], [sflag:$0x3] =	stream.indirect_vreg.gather [hbm4b:s9+s2], $0x80, v3, vm0, $0xb8;
	[tilespmem:$0x12A00] =	vst v63  }
0x127: {  	_ = 	snop  }
0x128: {  	[tilespmem:s21], [sflag:$0x3] =	stream.indirect_vreg.gather [hbm4b:s10+s2], $0x80, v3, vm1, $0xb8;
	[tilespmem:$0x12A00] =	vst v63  }
0x129: {  	v3 =	vld [tilespmem:s15+$0xFFFFFFF0];
	_ =	sdelay $0x4  }
0x12a: {  	v62 =	vshrl.u32 v3, $0x3  }
0x12b: {  	v4 =	vmul.u32 $0x38, v62  }
0x12c: {  	v3 =	vand.u32 $0x7, v3  }
0x12d: {  	v3 =	vor.u32 v3, v4  }
0x12e: {  	v4 =	vperm.xlane v3, v0;
	_ =	sdelay $0x1  }
0x12f: {  	v4 =	vadd.s32 v1, v4;
	_ =	sdelay $0x4  }
0x130: {  	[tilespmem:s22], [sflag:$0x3] =	stream.indirect_vreg.gather [hbm4b:s3+s2], $0x80, v4, vm0, $0xb8;
	[tilespmem:$0x12A00] =	vst v63  }
0x131: {  	v3 =	vperm.xlane v3, v2  }
0x132: {  	[tilespmem:s23], [sflag:$0x3] =	stream.indirect_vreg.gather [hbm4b:s8+s2], $0x80, v4, vm0, $0xb8;
	[tilespmem:$0x12A00] =	vst v63  }
0x133: {  	v3 =	vadd.s32 v1, v3  }
0x134: {  	[tilespmem:s24], [sflag:$0x3] =	stream.indirect_vreg.gather [hbm4b:s9+s2], $0x80, v4, vm0, $0xb8;
	[tilespmem:$0x12A00] =	vst v63  }
0x135: {  	_ = 	snop  }
0x136: {  	[tilespmem:s25], [sflag:$0x3] =	stream.indirect_vreg.gather [hbm4b:s10+s2], $0x80, v4, vm1, $0xb8;
	[tilespmem:$0x12A00] =	vst v63  }
0x137: {  	_ = 	snop  }
0x138: {  	[tilespmem:s26], [sflag:$0x3] =	stream.indirect_vreg.gather [hbm4b:s3+s2], $0x80, v3, vm0, $0xb8;
	[tilespmem:$0x12A00] =	vst v63  }
0x139: {  	_ = 	snop  }
0x13a: {  	[tilespmem:s28], [sflag:$0x3] =	stream.indirect_vreg.gather [hbm4b:s8+s2], $0x80, v3, vm0, $0xb8;
	[tilespmem:$0x12A00] =	vst v63  }
0x13b: {  	_ = 	snop  }
0x13c: {  	[tilespmem:s29], [sflag:$0x3] =	stream.indirect_vreg.gather [hbm4b:s9+s2], $0x80, v3, vm0, $0xb8;
	[tilespmem:$0x12A00] =	vst v63  }
0x13d: {  	_ = 	snop  }
0x13e: {  	[tilespmem:s30], [sflag:$0x3] =	stream.indirect_vreg.gather [hbm4b:s10+s2], $0x80, v3, vm1, $0xb8;
	[tilespmem:$0x12A00] =	vst v63  }
0x13f: {  	v3 =	vld.msk [tilespmem:s15+$0x0], $0xff;
	_ =	sdelay $0x4  }
0x140: {  	v63 =	vshrl.u32 v3, $0x3  }
0x141: {  	v4 =	vmul.u32 $0x38, v63  }
0x142: {  	v3 =	vand.u32 $0x7, v3  }
0x143: {  	v3 =	vor.u32 v3, v4  }
0x144: {  	v3 =	vperm.xlane v3, v0;
	_ =	sdelay $0x1  }
0x145: {  	v3 =	vadd.s32 v1, v3;
	_ =	sdelay $0x4  }
0x146: {  	[tilespmem:s31], [sflag:$0x3] =	stream.indirect_vreg.gather [hbm4b:s3+s2], $0x80, v3, vm0, $0xb8;
	[tilespmem:$0x12A00] =	vst v63  }
0x147: {  	_ = 	snop  }
0x148: {  	[tilespmem:s1], [sflag:$0x3] =	stream.indirect_vreg.gather [hbm4b:s8+s2], $0x80, v3, vm0, $0xb8;
	[tilespmem:$0x12A00] =	vst v63  }
.Ltmp5:
0x149: {  	_ = 	snop;
	(pc) =	sbr.rel .LBB2_6-.Ltmp5, $4  }
0x14a: {  	_ = 	snop  }
0x14b: {  	[tilespmem:s0], [sflag:$0x3] =	stream.indirect_vreg.gather [hbm4b:s9+s2], $0x80, v3, vm0, $0xb8;
	[tilespmem:$0x12A00] =	vst v63  }
0x14c: {  	s12 =	sadd.s32 $0x2300, s12;
	s15 =	sadd.s32 $0x50, s15  }
0x14d: {  	[tilespmem:s16], [sflag:$0x3] =	stream.indirect_vreg.gather [hbm4b:s10+s2], $0x80, v3, vm1, $0xb8;
	[tilespmem:$0x12A00] =	vst v63  }
.LBB2_9:
0x14e: {  	_ =	sfence.sel $0x180000  }
0x14f: {  	[bflag:$0x0] =	sbarrier.arrive $0xFFFF  }
0x150: {  	_ =	strace $0x90000047  }
0x151: {  	s0 =	stileid.u32;
	[bflag:$0x2] =	sbarrier.arrive $0xFFFF  }
0x152: {  	p0 =	sne.s32 s0, $0x0;
	s0 =	rddreg [dreg:$0x2]  }
0x153: {  	s0 =	sadd.s32 @!p0 $0x100000, s0  }
0x154: {  	[sflag:s0] =	ssyncadd.tile.s32 @!p0 $0x1;
	_ =	shalt  }
.Lfunc_end2:
_tile_overlayer_lowered:
.L_overlay_start_2:
0x155: {  	(tag) =	ssettag $0x2  }
0x156: {  	s0 =	rddreg [dreg:$0x0];
	s2 =	stileid.u32  }
0x157: {  	s1 =	rddreg [dreg:$0x1];
	p0 =	sne.s32 s2, $0x0  }
0x158: {  	s3 =	rddreg [dreg:$0x2];
	[bflag:$0x3] =	sbarrier.arrive $0xFFFF;
	s2 =	simm.s32 @!p0 $0x1C06  }
0x159: {  	[timem:s3], [sflag:s2] =	dma.local @!p0 [hbm:s0], s1  }
0x15a: {  	s0 =	simm.s32 @!p0 $0x6  }
0x15b: {  	_ =	swait.ge @!p0 [sflag:s0], s1  }
0x15c: {  	s1 =	ssub.s32 @!p0 $0x0, s1;
	[sflag:s0] =	ssyncset.done @!p0 $0x0  }
0x15d: {  	[sflag:s0] =	ssyncadd.s32 @!p0 s1  }
0x15e: {  	[bflag:$0x3] =	sbarrier.arrive $0xFFFF  }
0x15f: {  	_ =	shalt  }

</sc_bundles>
